<compile_context>
chip_gen: v7x
topology: tpu7x:2x2x1
jax: 0.10.2.dev20260603
libtpu: 0.0.44.dev20260713+nightly
codegen_flags: <defaults>
</compile_context>

<pallas_src>
import functools

import jax
import jax.numpy as jnp
from jax import lax
from jax.experimental import pallas as pl
from jax.experimental.pallas import tpu as pltpu
from jax.experimental.pallas import tpu_sc as plsc

N = 10000
E = 320000
D = 128

NC = 2
NS = 16
NW = NC * NS
CHUNK = 128
N_PAD = 10240
RPT = N_PAD // NS
ZB = RPT // CHUNK

_MESH = dict(core_axis_name="c", subcore_axis_name="s")


def _sc_sum_kernel(x, src, dst):
    e_pad = src.shape[0]
    chunks_per_tile = e_pad // (NW * CHUNK)

    @functools.partial(
        pl.kernel,
        mesh=plsc.VectorSubcoreMesh(**_MESH),
        out_type=jax.ShapeDtypeStruct((NC, N_PAD, D), jnp.float32),
        scratch_types=[
            pltpu.VMEM((CHUNK,), jnp.int32),
            pltpu.VMEM((CHUNK,), jnp.int32),
            pltpu.VMEM((CHUNK, D), jnp.float32),
            pltpu.VMEM_SHARED((N_PAD, D), jnp.float32),
            pltpu.SemaphoreType.DMA,
        ],
    )
    def k(x_hbm, src_hbm, dst_hbm, psum_hbm,
          idx_s, idx_d, rows_v, acc_sh, sem):
        c = lax.axis_index("c")
        s = lax.axis_index("s")
        wid = c * NS + s
        z16 = jnp.zeros((16,), jnp.float32)

        def fill_rows(r, carry):
            for jj in range(D // 16):
                rows_v[r, pl.ds(jj * 16, 16)] = z16
            return carry

        lax.fori_loop(0, CHUNK, fill_rows, 0)
        for z in range(ZB):
            pltpu.sync_copy(rows_v, acc_sh.at[pl.ds((s * ZB + z) * CHUNK, CHUNK)])
        plsc.subcore_barrier()

        def body(i, carry):
            base = (wid * chunks_per_tile + i) * CHUNK
            pltpu.sync_copy(src_hbm.at[pl.ds(base, CHUNK)], idx_s)
            pltpu.async_copy(x_hbm.at[idx_s], rows_v, sem).wait()
            pltpu.sync_copy(dst_hbm.at[pl.ds(base, CHUNK)], idx_d)
            pltpu.sync_copy(rows_v, acc_sh.at[idx_d], add=True)
            return carry

        lax.fori_loop(0, chunks_per_tile, body, 0)
        plsc.subcore_barrier()

        for z in range(ZB):
            r0 = (s * ZB + z) * CHUNK
            pltpu.sync_copy(acc_sh.at[pl.ds(r0, CHUNK)], rows_v)
            pltpu.sync_copy(rows_v, psum_hbm.at[c, pl.ds(r0, CHUNK)])

    return k(x, src, dst)


def _sc_count_kernel(dst):
    e_pad = dst.shape[0]
    chunks_per_tile = e_pad // (NW * CHUNK)

    @functools.partial(
        pl.kernel,
        mesh=plsc.VectorSubcoreMesh(**_MESH),
        out_type=jax.ShapeDtypeStruct((NC, N_PAD, D), jnp.float32),
        scratch_types=[
            pltpu.VMEM((CHUNK,), jnp.int32),
            pltpu.VMEM((CHUNK, D), jnp.float32),
            pltpu.VMEM((CHUNK, D), jnp.float32),
            pltpu.VMEM_SHARED((N_PAD, D), jnp.float32),
        ],
    )
    def k(dst_hbm, pcnt_hbm, idx_d, ones_v, buf_v, cnt_sh):
        c = lax.axis_index("c")
        s = lax.axis_index("s")
        wid = c * NS + s
        z16 = jnp.zeros((16,), jnp.float32)
        o16 = jnp.ones((16,), jnp.float32)

        def fill(r, carry):
            for jj in range(D // 16):
                ones_v[r, pl.ds(jj * 16, 16)] = o16
                buf_v[r, pl.ds(jj * 16, 16)] = z16
            return carry

        lax.fori_loop(0, CHUNK, fill, 0)
        for z in range(ZB):
            pltpu.sync_copy(buf_v, cnt_sh.at[pl.ds((s * ZB + z) * CHUNK, CHUNK)])
        plsc.subcore_barrier()

        def body(i, carry):
            base = (wid * chunks_per_tile + i) * CHUNK
            pltpu.sync_copy(dst_hbm.at[pl.ds(base, CHUNK)], idx_d)
            pltpu.sync_copy(ones_v, cnt_sh.at[idx_d], add=True)
            return carry

        lax.fori_loop(0, chunks_per_tile, body, 0)
        plsc.subcore_barrier()

        for z in range(ZB):
            r0 = (s * ZB + z) * CHUNK
            pltpu.sync_copy(cnt_sh.at[pl.ds(r0, CHUNK)], buf_v)
            pltpu.sync_copy(buf_v, pcnt_hbm.at[c, pl.ds(r0, CHUNK)])

    return k(dst)


def _combine_kernel(psum, pcnt):
    BN = 2048

    def comb(ps_ref, pc_ref, o_ref):
        ssum = ps_ref[0] + ps_ref[1]
        cnt = pc_ref[0, :, 0:1] + pc_ref[1, :, 0:1]
        o_ref[...] = ssum / jnp.maximum(cnt, 1.0)

    return pl.pallas_call(
        comb,
        grid=(N_PAD // BN,),
        in_specs=[
            pl.BlockSpec((NC, BN, D), lambda i: (0, i, 0)),
            pl.BlockSpec((NC, BN, D), lambda i: (0, i, 0)),
        ],
        out_specs=pl.BlockSpec((BN, D), lambda i: (i, 0)),
        out_shape=jax.ShapeDtypeStruct((N_PAD, D), jnp.float32),
    )(psum, pcnt)


@jax.jit
def kernel(x, edge_index):
    src = edge_index[0]
    dst = edge_index[1]
    e_pad = ((E + NW * CHUNK - 1) // (NW * CHUNK)) * (NW * CHUNK)
    pad = e_pad - E
    src_p = jnp.concatenate([src, jnp.zeros((pad,), jnp.int32)])
    dst_pad = N + (jnp.arange(pad, dtype=jnp.int32) % (N_PAD - N))
    dst_p = jnp.concatenate([dst, dst_pad])
    psum = _sc_sum_kernel(x, src_p, dst_p)
    pcnt = _sc_count_kernel(dst_p)
    return _combine_kernel(psum, pcnt)[:N]

# --- scband reference (transcript-rebuilt; emitter-appended) ---
"""Pipeline reference for scband-simple-conv-936302871051 (READ-ONLY COPY).

The authoritative reference and input builder live on the scoring server;
editing this copy changes nothing except your own understanding.
"""

import jax, jax.numpy as jnp
import numpy as np

N = 10000
E = 320000
D = 128

def setup_inputs(seed: int = 0) -> dict:
    key = jax.random.key(seed)
    k1, k2 = jax.random.split(key)
    x = jax.random.normal(k1, (N, D), dtype=jnp.float32)
    edge_index = jax.random.randint(k2, (2, E), 0, N, dtype=jnp.int32)
    return {"x": x, "edge_index": edge_index}

def reference(x, edge_index):
    # SimpleConv with aggr='mean': mean-aggregate source node features onto destination nodes
    src = edge_index[0]
    dst = edge_index[1]
    msgs = jnp.take(x, src, axis=0)  # gather: [E, D]
    summed = jax.ops.segment_sum(msgs, dst, num_segments=x.shape[0])  # scatter-add: [N, D]
    counts = jax.ops.segment_sum(jnp.ones((src.shape[0],), dtype=x.dtype), dst, num_segments=x.shape[0])
    counts = jnp.maximum(counts, 1.0)  # avoid div-by-zero for isolated nodes
    return summed / counts[:, None]

if __name__ == "__main__":
    import jax
    _d = setup_inputs()
    print(jax.jit(kernel)(*tuple(_d.values())))

</pallas_src>

<mosaic_0001>
#map = affine_map<(d0, d1) -> (0)>
#map1 = affine_map<(d0, d1) -> (0, 0, 0)>
module attributes {stable_mosaic.version = 14 : i64} {
  func.func @k(%arg0: i32, %arg1: i32, %arg2: memref<323584xi32, #tpu.memory_space<hbm>>, %arg3: memref<2x10240x128xf32, #tpu.memory_space<hbm>>, %arg4: memref<128xi32, #tpu.memory_space<vmem>>, %arg5: memref<128x128xf32, #tpu.memory_space<vmem>>, %arg6: memref<128x128xf32, #tpu.memory_space<vmem>>, %arg7: memref<10240x128xf32, #tpu.memory_space<vmem_shared>>) attributes {dimension_semantics = [#tpu.dimension_semantics<core_parallel>, #tpu.dimension_semantics<subcore_parallel>], iteration_bounds = array<i64: 2, 16>, scalar_prefetch = 0 : i64, scratch_operands = 4 : i64, tpu.core_type = #tpu.core_type<sc_vector_subcore>, window_params = [{transform_indices = #map}, {transform_indices = #map1}]} {
    %mul3A = arith.constant 16 : i32
    %mul3A_0 = arith.muli %arg0, %mul3A : i32
    %add3A = arith.addi %mul3A_0, %arg1 : i32
    %broadcast_in_dim3A = arith.constant 0.000000e+00 : f32
    %broadcast_in_dim3A_1 = vector.broadcast %broadcast_in_dim3A : f32 to vector<16xf32>
    %broadcast_in_dim3A_2 = arith.constant 1.000000e+00 : f32
    %broadcast_in_dim3A_3 = vector.broadcast %broadcast_in_dim3A_2 : f32 to vector<16xf32>
    %scan3A = arith.constant 0 : i32
    %scan3A_4 = arith.constant 0 : i32
    %scan3A_5 = arith.constant 128 : i32
    %scan3A_6 = arith.addi %scan3A_4, %scan3A_5 : i32
    %scan3A_7 = arith.constant 1 : i32
    scf.for %scan3A_76 = %scan3A_4 to %scan3A_6 step %scan3A_7  : i32 {
      %swap3A = arith.index_cast %scan3A_76 : i32 to index
      %swap3A_77 = arith.constant 0 : index
      %swap3A_78 = tpu.vector_load %arg5[%swap3A, %swap3A_77] {strides = array<i32>} : memref<128x128xf32, #tpu.memory_space<vmem>>, vector<1x16xf32>,
      %swap3A_79 = vector.shape_cast %swap3A_78 : vector<1x16xf32> to vector<16xf32>
      %swap3A_80 = vector.shape_cast %broadcast_in_dim3A_3 : vector<16xf32> to vector<1x16xf32>
      tpu.vector_store %arg5[%swap3A, %swap3A_77], %swap3A_80 {strides = array<i32>} : memref<128x128xf32, #tpu.memory_space<vmem>>, vector<1x16xf32>,
      %swap3A_81 = arith.index_cast %scan3A_76 : i32 to index
      %swap3A_82 = arith.constant 0 : index
      %swap3A_83 = tpu.vector_load %arg6[%swap3A_81, %swap3A_82] {strides = array<i32>} : memref<128x128xf32, #tpu.memory_space<vmem>>, vector<1x16xf32>,
      %swap3A_84 = vector.shape_cast %swap3A_83 : vector<1x16xf32> to vector<16xf32>
      %swap3A_85 = vector.shape_cast %broadcast_in_dim3A_1 : vector<16xf32> to vector<1x16xf32>
      tpu.vector_store %arg6[%swap3A_81, %swap3A_82], %swap3A_85 {strides = array<i32>} : memref<128x128xf32, #tpu.memory_space<vmem>>, vector<1x16xf32>,
      %swap3A_86 = arith.index_cast %scan3A_76 : i32 to index
      %swap3A_87 = arith.constant 16 : index
      %swap3A_88 = tpu.vector_load %arg5[%swap3A_86, %swap3A_87] {strides = array<i32>} : memref<128x128xf32, #tpu.memory_space<vmem>>, vector<1x16xf32>,
      %swap3A_89 = vector.shape_cast %swap3A_88 : vector<1x16xf32> to vector<16xf32>
      %swap3A_90 = vector.shape_cast %broadcast_in_dim3A_3 : vector<16xf32> to vector<1x16xf32>
      tpu.vector_store %arg5[%swap3A_86, %swap3A_87], %swap3A_90 {strides = array<i32>} : memref<128x128xf32, #tpu.memory_space<vmem>>, vector<1x16xf32>,
      %swap3A_91 = arith.index_cast %scan3A_76 : i32 to index
      %swap3A_92 = arith.constant 16 : index
      %swap3A_93 = tpu.vector_load %arg6[%swap3A_91, %swap3A_92] {strides = array<i32>} : memref<128x128xf32, #tpu.memory_space<vmem>>, vector<1x16xf32>,
      %swap3A_94 = vector.shape_cast %swap3A_93 : vector<1x16xf32> to vector<16xf32>
      %swap3A_95 = vector.shape_cast %broadcast_in_dim3A_1 : vector<16xf32> to vector<1x16xf32>
      tpu.vector_store %arg6[%swap3A_91, %swap3A_92], %swap3A_95 {strides = array<i32>} : memref<128x128xf32, #tpu.memory_space<vmem>>, vector<1x16xf32>,
      %swap3A_96 = arith.index_cast %scan3A_76 : i32 to index
      %swap3A_97 = arith.constant 32 : index
      %swap3A_98 = tpu.vector_load %arg5[%swap3A_96, %swap3A_97] {strides = array<i32>} : memref<128x128xf32, #tpu.memory_space<vmem>>, vector<1x16xf32>,
      %swap3A_99 = vector.shape_cast %swap3A_98 : vector<1x16xf32> to vector<16xf32>
      %swap3A_100 = vector.shape_cast %broadcast_in_dim3A_3 : vector<16xf32> to vector<1x16xf32>
      tpu.vector_store %arg5[%swap3A_96, %swap3A_97], %swap3A_100 {strides = array<i32>} : memref<128x128xf32, #tpu.memory_space<vmem>>, vector<1x16xf32>,
      %swap3A_101 = arith.index_cast %scan3A_76 : i32 to index
      %swap3A_102 = arith.constant 32 : index
      %swap3A_103 = tpu.vector_load %arg6[%swap3A_101, %swap3A_102] {strides = array<i32>} : memref<128x128xf32, #tpu.memory_space<vmem>>, vector<1x16xf32>,
      %swap3A_104 = vector.shape_cast %swap3A_103 : vector<1x16xf32> to vector<16xf32>
      %swap3A_105 = vector.shape_cast %broadcast_in_dim3A_1 : vector<16xf32> to vector<1x16xf32>
      tpu.vector_store %arg6[%swap3A_101, %swap3A_102], %swap3A_105 {strides = array<i32>} : memref<128x128xf32, #tpu.memory_space<vmem>>, vector<1x16xf32>,
      %swap3A_106 = arith.index_cast %scan3A_76 : i32 to index
      %swap3A_107 = arith.constant 48 : index
      %swap3A_108 = tpu.vector_load %arg5[%swap3A_106, %swap3A_107] {strides = array<i32>} : memref<128x128xf32, #tpu.memory_space<vmem>>, vector<1x16xf32>,
      %swap3A_109 = vector.shape_cast %swap3A_108 : vector<1x16xf32> to vector<16xf32>
      %swap3A_110 = vector.shape_cast %broadcast_in_dim3A_3 : vector<16xf32> to vector<1x16xf32>
      tpu.vector_store %arg5[%swap3A_106, %swap3A_107], %swap3A_110 {strides = array<i32>} : memref<128x128xf32, #tpu.memory_space<vmem>>, vector<1x16xf32>,
      %swap3A_111 = arith.index_cast %scan3A_76 : i32 to index
      %swap3A_112 = arith.constant 48 : index
      %swap3A_113 = tpu.vector_load %arg6[%swap3A_111, %swap3A_112] {strides = array<i32>} : memref<128x128xf32, #tpu.memory_space<vmem>>, vector<1x16xf32>,
      %swap3A_114 = vector.shape_cast %swap3A_113 : vector<1x16xf32> to vector<16xf32>
      %swap3A_115 = vector.shape_cast %broadcast_in_dim3A_1 : vector<16xf32> to vector<1x16xf32>
      tpu.vector_store %arg6[%swap3A_111, %swap3A_112], %swap3A_115 {strides = array<i32>} : memref<128x128xf32, #tpu.memory_space<vmem>>, vector<1x16xf32>,
      %swap3A_116 = arith.index_cast %scan3A_76 : i32 to index
      %swap3A_117 = arith.constant 64 : index
      %swap3A_118 = tpu.vector_load %arg5[%swap3A_116, %swap3A_117] {strides = array<i32>} : memref<128x128xf32, #tpu.memory_space<vmem>>, vector<1x16xf32>,
      %swap3A_119 = vector.shape_cast %swap3A_118 : vector<1x16xf32> to vector<16xf32>
      %swap3A_120 = vector.shape_cast %broadcast_in_dim3A_3 : vector<16xf32> to vector<1x16xf32>
      tpu.vector_store %arg5[%swap3A_116, %swap3A_117], %swap3A_120 {strides = array<i32>} : memref<128x128xf32, #tpu.memory_space<vmem>>, vector<1x16xf32>,
      %swap3A_121 = arith.index_cast %scan3A_76 : i32 to index
      %swap3A_122 = arith.constant 64 : index
      %swap3A_123 = tpu.vector_load %arg6[%swap3A_121, %swap3A_122] {strides = array<i32>} : memref<128x128xf32, #tpu.memory_space<vmem>>, vector<1x16xf32>,
      %swap3A_124 = vector.shape_cast %swap3A_123 : vector<1x16xf32> to vector<16xf32>
      %swap3A_125 = vector.shape_cast %broadcast_in_dim3A_1 : vector<16xf32> to vector<1x16xf32>
      tpu.vector_store %arg6[%swap3A_121, %swap3A_122], %swap3A_125 {strides = array<i32>} : memref<128x128xf32, #tpu.memory_space<vmem>>, vector<1x16xf32>,
      %swap3A_126 = arith.index_cast %scan3A_76 : i32 to index
      %swap3A_127 = arith.constant 80 : index
      %swap3A_128 = tpu.vector_load %arg5[%swap3A_126, %swap3A_127] {strides = array<i32>} : memref<128x128xf32, #tpu.memory_space<vmem>>, vector<1x16xf32>,
      %swap3A_129 = vector.shape_cast %swap3A_128 : vector<1x16xf32> to vector<16xf32>
      %swap3A_130 = vector.shape_cast %broadcast_in_dim3A_3 : vector<16xf32> to vector<1x16xf32>
      tpu.vector_store %arg5[%swap3A_126, %swap3A_127], %swap3A_130 {strides = array<i32>} : memref<128x128xf32, #tpu.memory_space<vmem>>, vector<1x16xf32>,
      %swap3A_131 = arith.index_cast %scan3A_76 : i32 to index
      %swap3A_132 = arith.constant 80 : index
      %swap3A_133 = tpu.vector_load %arg6[%swap3A_131, %swap3A_132] {strides = array<i32>} : memref<128x128xf32, #tpu.memory_space<vmem>>, vector<1x16xf32>,
      %swap3A_134 = vector.shape_cast %swap3A_133 : vector<1x16xf32> to vector<16xf32>
      %swap3A_135 = vector.shape_cast %broadcast_in_dim3A_1 : vector<16xf32> to vector<1x16xf32>
      tpu.vector_store %arg6[%swap3A_131, %swap3A_132], %swap3A_135 {strides = array<i32>} : memref<128x128xf32, #tpu.memory_space<vmem>>, vector<1x16xf32>,
      %swap3A_136 = arith.index_cast %scan3A_76 : i32 to index
      %swap3A_137 = arith.constant 96 : index
      %swap3A_138 = tpu.vector_load %arg5[%swap3A_136, %swap3A_137] {strides = array<i32>} : memref<128x128xf32, #tpu.memory_space<vmem>>, vector<1x16xf32>,
      %swap3A_139 = vector.shape_cast %swap3A_138 : vector<1x16xf32> to vector<16xf32>
      %swap3A_140 = vector.shape_cast %broadcast_in_dim3A_3 : vector<16xf32> to vector<1x16xf32>
      tpu.vector_store %arg5[%swap3A_136, %swap3A_137], %swap3A_140 {strides = array<i32>} : memref<128x128xf32, #tpu.memory_space<vmem>>, vector<1x16xf32>,
      %swap3A_141 = arith.index_cast %scan3A_76 : i32 to index
      %swap3A_142 = arith.constant 96 : index
      %swap3A_143 = tpu.vector_load %arg6[%swap3A_141, %swap3A_142] {strides = array<i32>} : memref<128x128xf32, #tpu.memory_space<vmem>>, vector<1x16xf32>,
      %swap3A_144 = vector.shape_cast %swap3A_143 : vector<1x16xf32> to vector<16xf32>
      %swap3A_145 = vector.shape_cast %broadcast_in_dim3A_1 : vector<16xf32> to vector<1x16xf32>
      tpu.vector_store %arg6[%swap3A_141, %swap3A_142], %swap3A_145 {strides = array<i32>} : memref<128x128xf32, #tpu.memory_space<vmem>>, vector<1x16xf32>,
      %swap3A_146 = arith.index_cast %scan3A_76 : i32 to index
      %swap3A_147 = arith.constant 112 : index
      %swap3A_148 = tpu.vector_load %arg5[%swap3A_146, %swap3A_147] {strides = array<i32>} : memref<128x128xf32, #tpu.memory_space<vmem>>, vector<1x16xf32>,
      %swap3A_149 = vector.shape_cast %swap3A_148 : vector<1x16xf32> to vector<16xf32>
      %swap3A_150 = vector.shape_cast %broadcast_in_dim3A_3 : vector<16xf32> to vector<1x16xf32>
      tpu.vector_store %arg5[%swap3A_146, %swap3A_147], %swap3A_150 {strides = array<i32>} : memref<128x128xf32, #tpu.memory_space<vmem>>, vector<1x16xf32>,
      %swap3A_151 = arith.index_cast %scan3A_76 : i32 to index
      %swap3A_152 = arith.constant 112 : index
      %swap3A_153 = tpu.vector_load %arg6[%swap3A_151, %swap3A_152] {strides = array<i32>} : memref<128x128xf32, #tpu.memory_space<vmem>>, vector<1x16xf32>,
      %swap3A_154 = vector.shape_cast %swap3A_153 : vector<1x16xf32> to vector<16xf32>
      %swap3A_155 = vector.shape_cast %broadcast_in_dim3A_1 : vector<16xf32> to vector<1x16xf32>
      tpu.vector_store %arg6[%swap3A_151, %swap3A_152], %swap3A_155 {strides = array<i32>} : memref<128x128xf32, #tpu.memory_space<vmem>>, vector<1x16xf32>,
    }
    %scan3A_8 = arith.constant 128 : i32
    %mul3A_9 = arith.constant 5 : i32
    %mul3A_10 = arith.muli %arg1, %mul3A_9 : i32
    %add3A_11 = arith.constant 0 : i32
    %add3A_12 = arith.addi %mul3A_10, %add3A_11 : i32
    %mul3A_13 = arith.constant 128 : i32
    %mul3A_14 = arith.muli %add3A_12, %mul3A_13 : i32
    "tpu.region"() ({
      %run_scoped3A = tpu.sem_alloc : memref<!tpu.dma_semaphore, #tpu.memory_space<semaphore_mem>>
      %dma_start3A = arith.constant 0 : i32
      %dma_start3A_76 = tpu.memref_slice %arg7[%mul3A_14, %dma_start3A] : memref<10240x128xf32, #tpu.memory_space<vmem_shared>> -> memref<128x128xf32, #tpu.memory_space<vmem_shared>>
      %dma_start3A_77 = arith.constant 0 : i32
      %dma_start3A_78 = tpu.memref_slice %arg7[%mul3A_14, %dma_start3A_77] : memref<10240x128xf32, #tpu.memory_space<vmem_shared>> -> memref<128x128xf32, #tpu.memory_space<vmem_shared>>
      tpu.enqueue_dma source(%arg6 : memref<128x128xf32, #tpu.memory_space<vmem>>) target(%dma_start3A_78 : memref<128x128xf32, #tpu.memory_space<vmem_shared>>) target_semaphore(%run_scoped3A : memref<!tpu.dma_semaphore, #tpu.memory_space<semaphore_mem>>)
      %dma_wait3A = arith.constant 0 : i32
      %dma_wait3A_79 = tpu.memref_slice %arg7[%mul3A_14, %dma_wait3A] : memref<10240x128xf32, #tpu.memory_space<vmem_shared>> -> memref<128x128xf32, #tpu.memory_space<vmem_shared>>
      %dma_wait3A_80 = arith.constant 0 : i32
      %dma_wait3A_81 = tpu.memref_slice %arg7[%mul3A_14, %dma_wait3A_80] : memref<10240x128xf32, #tpu.memory_space<vmem_shared>> -> memref<128x128xf32, #tpu.memory_space<vmem_shared>>
      tpu.wait_dma2 semaphore(%run_scoped3A : memref<!tpu.dma_semaphore, #tpu.memory_space<semaphore_mem>>) src(%arg6 : memref<128x128xf32, #tpu.memory_space<vmem>>) dst(%dma_wait3A_81 : memref<128x128xf32, #tpu.memory_space<vmem_shared>>)
      tpu.yield
    }) : () -> ()
    %mul3A_15 = arith.constant 5 : i32
    %mul3A_16 = arith.muli %arg1, %mul3A_15 : i32
    %add3A_17 = arith.constant 1 : i32
    %add3A_18 = arith.addi %mul3A_16, %add3A_17 : i32
    %mul3A_19 = arith.constant 128 : i32
    %mul3A_20 = arith.muli %add3A_18, %mul3A_19 : i32
    "tpu.region"() ({
      %run_scoped3A = tpu.sem_alloc : memref<!tpu.dma_semaphore, #tpu.memory_space<semaphore_mem>>
      %dma_start3A = arith.constant 0 : i32
      %dma_start3A_76 = tpu.memref_slice %arg7[%mul3A_20, %dma_start3A] : memref<10240x128xf32, #tpu.memory_space<vmem_shared>> -> memref<128x128xf32, #tpu.memory_space<vmem_shared>>
      %dma_start3A_77 = arith.constant 0 : i32
      %dma_start3A_78 = tpu.memref_slice %arg7[%mul3A_20, %dma_start3A_77] : memref<10240x128xf32, #tpu.memory_space<vmem_shared>> -> memref<128x128xf32, #tpu.memory_space<vmem_shared>>
      tpu.enqueue_dma source(%arg6 : memref<128x128xf32, #tpu.memory_space<vmem>>) target(%dma_start3A_78 : memref<128x128xf32, #tpu.memory_space<vmem_shared>>) target_semaphore(%run_scoped3A : memref<!tpu.dma_semaphore, #tpu.memory_space<semaphore_mem>>)
      %dma_wait3A = arith.constant 0 : i32
      %dma_wait3A_79 = tpu.memref_slice %arg7[%mul3A_20, %dma_wait3A] : memref<10240x128xf32, #tpu.memory_space<vmem_shared>> -> memref<128x128xf32, #tpu.memory_space<vmem_shared>>
      %dma_wait3A_80 = arith.constant 0 : i32
      %dma_wait3A_81 = tpu.memref_slice %arg7[%mul3A_20, %dma_wait3A_80] : memref<10240x128xf32, #tpu.memory_space<vmem_shared>> -> memref<128x128xf32, #tpu.memory_space<vmem_shared>>
      tpu.wait_dma2 semaphore(%run_scoped3A : memref<!tpu.dma_semaphore, #tpu.memory_space<semaphore_mem>>) src(%arg6 : memref<128x128xf32, #tpu.memory_space<vmem>>) dst(%dma_wait3A_81 : memref<128x128xf32, #tpu.memory_space<vmem_shared>>)
      tpu.yield
    }) : () -> ()
    %mul3A_21 = arith.constant 5 : i32
    %mul3A_22 = arith.muli %arg1, %mul3A_21 : i32
    %add3A_23 = arith.constant 2 : i32
    %add3A_24 = arith.addi %mul3A_22, %add3A_23 : i32
    %mul3A_25 = arith.constant 128 : i32
    %mul3A_26 = arith.muli %add3A_24, %mul3A_25 : i32
    "tpu.region"() ({
      %run_scoped3A = tpu.sem_alloc : memref<!tpu.dma_semaphore, #tpu.memory_space<semaphore_mem>>
      %dma_start3A = arith.constant 0 : i32
      %dma_start3A_76 = tpu.memref_slice %arg7[%mul3A_26, %dma_start3A] : memref<10240x128xf32, #tpu.memory_space<vmem_shared>> -> memref<128x128xf32, #tpu.memory_space<vmem_shared>>
      %dma_start3A_77 = arith.constant 0 : i32
      %dma_start3A_78 = tpu.memref_slice %arg7[%mul3A_26, %dma_start3A_77] : memref<10240x128xf32, #tpu.memory_space<vmem_shared>> -> memref<128x128xf32, #tpu.memory_space<vmem_shared>>
      tpu.enqueue_dma source(%arg6 : memref<128x128xf32, #tpu.memory_space<vmem>>) target(%dma_start3A_78 : memref<128x128xf32, #tpu.memory_space<vmem_shared>>) target_semaphore(%run_scoped3A : memref<!tpu.dma_semaphore, #tpu.memory_space<semaphore_mem>>)
      %dma_wait3A = arith.constant 0 : i32
      %dma_wait3A_79 = tpu.memref_slice %arg7[%mul3A_26, %dma_wait3A] : memref<10240x128xf32, #tpu.memory_space<vmem_shared>> -> memref<128x128xf32, #tpu.memory_space<vmem_shared>>
      %dma_wait3A_80 = arith.constant 0 : i32
      %dma_wait3A_81 = tpu.memref_slice %arg7[%mul3A_26, %dma_wait3A_80] : memref<10240x128xf32, #tpu.memory_space<vmem_shared>> -> memref<128x128xf32, #tpu.memory_space<vmem_shared>>
      tpu.wait_dma2 semaphore(%run_scoped3A : memref<!tpu.dma_semaphore, #tpu.memory_space<semaphore_mem>>) src(%arg6 : memref<128x128xf32, #tpu.memory_space<vmem>>) dst(%dma_wait3A_81 : memref<128x128xf32, #tpu.memory_space<vmem_shared>>)
      tpu.yield
    }) : () -> ()
    %mul3A_27 = arith.constant 5 : i32
    %mul3A_28 = arith.muli %arg1, %mul3A_27 : i32
    %add3A_29 = arith.constant 3 : i32
    %add3A_30 = arith.addi %mul3A_28, %add3A_29 : i32
    %mul3A_31 = arith.constant 128 : i32
    %mul3A_32 = arith.muli %add3A_30, %mul3A_31 : i32
    "tpu.region"() ({
      %run_scoped3A = tpu.sem_alloc : memref<!tpu.dma_semaphore, #tpu.memory_space<semaphore_mem>>
      %dma_start3A = arith.constant 0 : i32
      %dma_start3A_76 = tpu.memref_slice %arg7[%mul3A_32, %dma_start3A] : memref<10240x128xf32, #tpu.memory_space<vmem_shared>> -> memref<128x128xf32, #tpu.memory_space<vmem_shared>>
      %dma_start3A_77 = arith.constant 0 : i32
      %dma_start3A_78 = tpu.memref_slice %arg7[%mul3A_32, %dma_start3A_77] : memref<10240x128xf32, #tpu.memory_space<vmem_shared>> -> memref<128x128xf32, #tpu.memory_space<vmem_shared>>
      tpu.enqueue_dma source(%arg6 : memref<128x128xf32, #tpu.memory_space<vmem>>) target(%dma_start3A_78 : memref<128x128xf32, #tpu.memory_space<vmem_shared>>) target_semaphore(%run_scoped3A : memref<!tpu.dma_semaphore, #tpu.memory_space<semaphore_mem>>)
      %dma_wait3A = arith.constant 0 : i32
      %dma_wait3A_79 = tpu.memref_slice %arg7[%mul3A_32, %dma_wait3A] : memref<10240x128xf32, #tpu.memory_space<vmem_shared>> -> memref<128x128xf32, #tpu.memory_space<vmem_shared>>
      %dma_wait3A_80 = arith.constant 0 : i32
      %dma_wait3A_81 = tpu.memref_slice %arg7[%mul3A_32, %dma_wait3A_80] : memref<10240x128xf32, #tpu.memory_space<vmem_shared>> -> memref<128x128xf32, #tpu.memory_space<vmem_shared>>
      tpu.wait_dma2 semaphore(%run_scoped3A : memref<!tpu.dma_semaphore, #tpu.memory_space<semaphore_mem>>) src(%arg6 : memref<128x128xf32, #tpu.memory_space<vmem>>) dst(%dma_wait3A_81 : memref<128x128xf32, #tpu.memory_space<vmem_shared>>)
      tpu.yield
    }) : () -> ()
    %mul3A_33 = arith.constant 5 : i32
    %mul3A_34 = arith.muli %arg1, %mul3A_33 : i32
    %add3A_35 = arith.constant 4 : i32
    %add3A_36 = arith.addi %mul3A_34, %add3A_35 : i32
    %mul3A_37 = arith.constant 128 : i32
    %mul3A_38 = arith.muli %add3A_36, %mul3A_37 : i32
    "tpu.region"() ({
      %run_scoped3A = tpu.sem_alloc : memref<!tpu.dma_semaphore, #tpu.memory_space<semaphore_mem>>
      %dma_start3A = arith.constant 0 : i32
      %dma_start3A_76 = tpu.memref_slice %arg7[%mul3A_38, %dma_start3A] : memref<10240x128xf32, #tpu.memory_space<vmem_shared>> -> memref<128x128xf32, #tpu.memory_space<vmem_shared>>
      %dma_start3A_77 = arith.constant 0 : i32
      %dma_start3A_78 = tpu.memref_slice %arg7[%mul3A_38, %dma_start3A_77] : memref<10240x128xf32, #tpu.memory_space<vmem_shared>> -> memref<128x128xf32, #tpu.memory_space<vmem_shared>>
      tpu.enqueue_dma source(%arg6 : memref<128x128xf32, #tpu.memory_space<vmem>>) target(%dma_start3A_78 : memref<128x128xf32, #tpu.memory_space<vmem_shared>>) target_semaphore(%run_scoped3A : memref<!tpu.dma_semaphore, #tpu.memory_space<semaphore_mem>>)
      %dma_wait3A = arith.constant 0 : i32
      %dma_wait3A_79 = tpu.memref_slice %arg7[%mul3A_38, %dma_wait3A] : memref<10240x128xf32, #tpu.memory_space<vmem_shared>> -> memref<128x128xf32, #tpu.memory_space<vmem_shared>>
      %dma_wait3A_80 = arith.constant 0 : i32
      %dma_wait3A_81 = tpu.memref_slice %arg7[%mul3A_38, %dma_wait3A_80] : memref<10240x128xf32, #tpu.memory_space<vmem_shared>> -> memref<128x128xf32, #tpu.memory_space<vmem_shared>>
      tpu.wait_dma2 semaphore(%run_scoped3A : memref<!tpu.dma_semaphore, #tpu.memory_space<semaphore_mem>>) src(%arg6 : memref<128x128xf32, #tpu.memory_space<vmem>>) dst(%dma_wait3A_81 : memref<128x128xf32, #tpu.memory_space<vmem_shared>>)
      tpu.yield
    }) : () -> ()
    %barrier3A = arith.constant 0 : index
    tpu.barrier barrier_id(%barrier3A)
    %scan3A_39 = arith.constant 0 : i32
    %scan3A_40 = arith.constant 0 : i32
    %scan3A_41 = arith.constant 79 : i32
    %scan3A_42 = arith.addi %scan3A_40, %scan3A_41 : i32
    %scan3A_43 = arith.constant 1 : i32
    scf.for %scan3A_76 = %scan3A_40 to %scan3A_42 step %scan3A_43  : i32 {
      %mul3A_77 = arith.constant 79 : i32
      %mul3A_78 = arith.muli %add3A, %mul3A_77 : i32
      %add3A_79 = arith.addi %mul3A_78, %scan3A_76 : i32
      %mul3A_80 = arith.constant 128 : i32
      %mul3A_81 = arith.muli %add3A_79, %mul3A_80 : i32
      "tpu.region"() ({
        %run_scoped3A = tpu.sem_alloc : memref<!tpu.dma_semaphore, #tpu.memory_space<semaphore_mem>>
        %dma_start3A = tpu.memref_slice %arg2[%mul3A_81] : memref<323584xi32, #tpu.memory_space<hbm>> -> memref<128xi32, #tpu.memory_space<hbm>>
        %dma_start3A_82 = tpu.memref_slice %arg2[%mul3A_81] : memref<323584xi32, #tpu.memory_space<hbm>> -> memref<128xi32, #tpu.memory_space<hbm>>
        tpu.enqueue_dma source(%dma_start3A_82 : memref<128xi32, #tpu.memory_space<hbm>>) target(%arg4 : memref<128xi32, #tpu.memory_space<vmem>>) target_semaphore(%run_scoped3A : memref<!tpu.dma_semaphore, #tpu.memory_space<semaphore_mem>>)
        %dma_wait3A = tpu.memref_slice %arg2[%mul3A_81] : memref<323584xi32, #tpu.memory_space<hbm>> -> memref<128xi32, #tpu.memory_space<hbm>>
        %dma_wait3A_83 = tpu.memref_slice %arg2[%mul3A_81] : memref<323584xi32, #tpu.memory_space<hbm>> -> memref<128xi32, #tpu.memory_space<hbm>>
        tpu.wait_dma2 semaphore(%run_scoped3A : memref<!tpu.dma_semaphore, #tpu.memory_space<semaphore_mem>>) src(%dma_wait3A_83 : memref<128xi32, #tpu.memory_space<hbm>>) dst(%arg4 : memref<128xi32, #tpu.memory_space<vmem>>)
        tpu.yield
      }) : () -> ()
      "tpu.region"() ({
        %run_scoped3A = tpu.sem_alloc : memref<!tpu.dma_semaphore, #tpu.memory_space<semaphore_mem>>
        %dma_start3A = arith.constant 0 : i32
        %dma_start3A_82 = arith.constant 0 : i32
        %dma_start3A_83 = tpu.memref_slice %arg7[%dma_start3A, %dma_start3A_82] : memref<10240x128xf32, #tpu.memory_space<vmem_shared>> -> memref<10240x128xf32, #tpu.memory_space<vmem_shared>>
        tpu.enqueue_indirect_dma source(%arg5 : memref<128x128xf32, #tpu.memory_space<vmem>>) target(%dma_start3A_83 : memref<10240x128xf32, #tpu.memory_space<vmem_shared>>) offsets(%arg4 : memref<128xi32, #tpu.memory_space<vmem>>) semaphore(%run_scoped3A : memref<!tpu.dma_semaphore, #tpu.memory_space<semaphore_mem>>) {add = true}
        %dma_wait3A = arith.constant 0 : i32
        %dma_wait3A_84 = arith.constant 0 : i32
        %dma_wait3A_85 = tpu.memref_slice %arg7[%dma_wait3A, %dma_wait3A_84] : memref<10240x128xf32, #tpu.memory_space<vmem_shared>> -> memref<10240x128xf32, #tpu.memory_space<vmem_shared>>
        tpu.wait_indirect_dma semaphore(%run_scoped3A : memref<!tpu.dma_semaphore, #tpu.memory_space<semaphore_mem>>) src(%arg5 : memref<128x128xf32, #tpu.memory_space<vmem>>) dst(%dma_wait3A_85 : memref<10240x128xf32, #tpu.memory_space<vmem_shared>>)
        tpu.yield
      }) : () -> ()
    }
    %scan3A_44 = arith.constant 79 : i32
    %barrier3A_45 = arith.constant 0 : index
    tpu.barrier barrier_id(%barrier3A_45)
    %mul3A_46 = arith.constant 5 : i32
    %mul3A_47 = arith.muli %arg1, %mul3A_46 : i32
    %add3A_48 = arith.constant 0 : i32
    %add3A_49 = arith.addi %mul3A_47, %add3A_48 : i32
    %mul3A_50 = arith.constant 128 : i32
    %mul3A_51 = arith.muli %add3A_49, %mul3A_50 : i32
    "tpu.region"() ({
      %run_scoped3A = tpu.sem_alloc : memref<!tpu.dma_semaphore, #tpu.memory_space<semaphore_mem>>
      %dma_start3A = arith.constant 0 : i32
      %dma_start3A_76 = tpu.memref_slice %arg7[%mul3A_51, %dma_start3A] : memref<10240x128xf32, #tpu.memory_space<vmem_shared>> -> memref<128x128xf32, #tpu.memory_space<vmem_shared>>
      %dma_start3A_77 = arith.constant 0 : i32
      %dma_start3A_78 = tpu.memref_slice %arg7[%mul3A_51, %dma_start3A_77] : memref<10240x128xf32, #tpu.memory_space<vmem_shared>> -> memref<128x128xf32, #tpu.memory_space<vmem_shared>>
      tpu.enqueue_dma source(%dma_start3A_78 : memref<128x128xf32, #tpu.memory_space<vmem_shared>>) target(%arg6 : memref<128x128xf32, #tpu.memory_space<vmem>>) target_semaphore(%run_scoped3A : memref<!tpu.dma_semaphore, #tpu.memory_space<semaphore_mem>>)
      %dma_wait3A = arith.constant 0 : i32
      %dma_wait3A_79 = tpu.memref_slice %arg7[%mul3A_51, %dma_wait3A] : memref<10240x128xf32, #tpu.memory_space<vmem_shared>> -> memref<128x128xf32, #tpu.memory_space<vmem_shared>>
      %dma_wait3A_80 = arith.constant 0 : i32
      %dma_wait3A_81 = tpu.memref_slice %arg7[%mul3A_51, %dma_wait3A_80] : memref<10240x128xf32, #tpu.memory_space<vmem_shared>> -> memref<128x128xf32, #tpu.memory_space<vmem_shared>>
      tpu.wait_dma2 semaphore(%run_scoped3A : memref<!tpu.dma_semaphore, #tpu.memory_space<semaphore_mem>>) src(%dma_wait3A_81 : memref<128x128xf32, #tpu.memory_space<vmem_shared>>) dst(%arg6 : memref<128x128xf32, #tpu.memory_space<vmem>>)
      tpu.yield
    }) : () -> ()
    "tpu.region"() ({
      %run_scoped3A = tpu.sem_alloc : memref<!tpu.dma_semaphore, #tpu.memory_space<semaphore_mem>>
      %dma_start3A = arith.constant 0 : i32
      %dma_start3A_76 = tpu.memref_slice %arg3[%arg0, %mul3A_51, %dma_start3A] : memref<2x10240x128xf32, #tpu.memory_space<hbm>> -> memref<1x128x128xf32, #tpu.memory_space<hbm>>
      %dma_start3A_77 = tpu.memref_squeeze %dma_start3A_76 : memref<1x128x128xf32, #tpu.memory_space<hbm>> -> memref<128x128xf32, #tpu.memory_space<hbm>>
      %dma_start3A_78 = arith.constant 0 : i32
      %dma_start3A_79 = tpu.memref_slice %arg3[%arg0, %mul3A_51, %dma_start3A_78] : memref<2x10240x128xf32, #tpu.memory_space<hbm>> -> memref<1x128x128xf32, #tpu.memory_space<hbm>>
      %dma_start3A_80 = tpu.memref_squeeze %dma_start3A_79 : memref<1x128x128xf32, #tpu.memory_space<hbm>> -> memref<128x128xf32, #tpu.memory_space<hbm>>
      tpu.enqueue_dma source(%arg6 : memref<128x128xf32, #tpu.memory_space<vmem>>) target(%dma_start3A_80 : memref<128x128xf32, #tpu.memory_space<hbm>>) target_semaphore(%run_scoped3A : memref<!tpu.dma_semaphore, #tpu.memory_space<semaphore_mem>>)
      %dma_wait3A = arith.constant 0 : i32
      %dma_wait3A_81 = tpu.memref_slice %arg3[%arg0, %mul3A_51, %dma_wait3A] : memref<2x10240x128xf32, #tpu.memory_space<hbm>> -> memref<1x128x128xf32, #tpu.memory_space<hbm>>
      %dma_wait3A_82 = tpu.memref_squeeze %dma_wait3A_81 : memref<1x128x128xf32, #tpu.memory_space<hbm>> -> memref<128x128xf32, #tpu.memory_space<hbm>>
      %dma_wait3A_83 = arith.constant 0 : i32
      %dma_wait3A_84 = tpu.memref_slice %arg3[%arg0, %mul3A_51, %dma_wait3A_83] : memref<2x10240x128xf32, #tpu.memory_space<hbm>> -> memref<1x128x128xf32, #tpu.memory_space<hbm>>
      %dma_wait3A_85 = tpu.memref_squeeze %dma_wait3A_84 : memref<1x128x128xf32, #tpu.memory_space<hbm>> -> memref<128x128xf32, #tpu.memory_space<hbm>>
      tpu.wait_dma2 semaphore(%run_scoped3A : memref<!tpu.dma_semaphore, #tpu.memory_space<semaphore_mem>>) src(%arg6 : memref<128x128xf32, #tpu.memory_space<vmem>>) dst(%dma_wait3A_85 : memref<128x128xf32, #tpu.memory_space<hbm>>)
      tpu.yield
    }) : () -> ()
    %mul3A_52 = arith.constant 5 : i32
    %mul3A_53 = arith.muli %arg1, %mul3A_52 : i32
    %add3A_54 = arith.constant 1 : i32
    %add3A_55 = arith.addi %mul3A_53, %add3A_54 : i32
    %mul3A_56 = arith.constant 128 : i32
    %mul3A_57 = arith.muli %add3A_55, %mul3A_56 : i32
    "tpu.region"() ({
      %run_scoped3A = tpu.sem_alloc : memref<!tpu.dma_semaphore, #tpu.memory_space<semaphore_mem>>
      %dma_start3A = arith.constant 0 : i32
      %dma_start3A_76 = tpu.memref_slice %arg7[%mul3A_57, %dma_start3A] : memref<10240x128xf32, #tpu.memory_space<vmem_shared>> -> memref<128x128xf32, #tpu.memory_space<vmem_shared>>
      %dma_start3A_77 = arith.constant 0 : i32
      %dma_start3A_78 = tpu.memref_slice %arg7[%mul3A_57, %dma_start3A_77] : memref<10240x128xf32, #tpu.memory_space<vmem_shared>> -> memref<128x128xf32, #tpu.memory_space<vmem_shared>>
      tpu.enqueue_dma source(%dma_start3A_78 : memref<128x128xf32, #tpu.memory_space<vmem_shared>>) target(%arg6 : memref<128x128xf32, #tpu.memory_space<vmem>>) target_semaphore(%run_scoped3A : memref<!tpu.dma_semaphore, #tpu.memory_space<semaphore_mem>>)
      %dma_wait3A = arith.constant 0 : i32
      %dma_wait3A_79 = tpu.memref_slice %arg7[%mul3A_57, %dma_wait3A] : memref<10240x128xf32, #tpu.memory_space<vmem_shared>> -> memref<128x128xf32, #tpu.memory_space<vmem_shared>>
      %dma_wait3A_80 = arith.constant 0 : i32
      %dma_wait3A_81 = tpu.memref_slice %arg7[%mul3A_57, %dma_wait3A_80] : memref<10240x128xf32, #tpu.memory_space<vmem_shared>> -> memref<128x128xf32, #tpu.memory_space<vmem_shared>>
      tpu.wait_dma2 semaphore(%run_scoped3A : memref<!tpu.dma_semaphore, #tpu.memory_space<semaphore_mem>>) src(%dma_wait3A_81 : memref<128x128xf32, #tpu.memory_space<vmem_shared>>) dst(%arg6 : memref<128x128xf32, #tpu.memory_space<vmem>>)
      tpu.yield
    }) : () -> ()
    "tpu.region"() ({
      %run_scoped3A = tpu.sem_alloc : memref<!tpu.dma_semaphore, #tpu.memory_space<semaphore_mem>>
      %dma_start3A = arith.constant 0 : i32
      %dma_start3A_76 = tpu.memref_slice %arg3[%arg0, %mul3A_57, %dma_start3A] : memref<2x10240x128xf32, #tpu.memory_space<hbm>> -> memref<1x128x128xf32, #tpu.memory_space<hbm>>
      %dma_start3A_77 = tpu.memref_squeeze %dma_start3A_76 : memref<1x128x128xf32, #tpu.memory_space<hbm>> -> memref<128x128xf32, #tpu.memory_space<hbm>>
      %dma_start3A_78 = arith.constant 0 : i32
      %dma_start3A_79 = tpu.memref_slice %arg3[%arg0, %mul3A_57, %dma_start3A_78] : memref<2x10240x128xf32, #tpu.memory_space<hbm>> -> memref<1x128x128xf32, #tpu.memory_space<hbm>>
      %dma_start3A_80 = tpu.memref_squeeze %dma_start3A_79 : memref<1x128x128xf32, #tpu.memory_space<hbm>> -> memref<128x128xf32, #tpu.memory_space<hbm>>
      tpu.enqueue_dma source(%arg6 : memref<128x128xf32, #tpu.memory_space<vmem>>) target(%dma_start3A_80 : memref<128x128xf32, #tpu.memory_space<hbm>>) target_semaphore(%run_scoped3A : memref<!tpu.dma_semaphore, #tpu.memory_space<semaphore_mem>>)
      %dma_wait3A = arith.constant 0 : i32
      %dma_wait3A_81 = tpu.memref_slice %arg3[%arg0, %mul3A_57, %dma_wait3A] : memref<2x10240x128xf32, #tpu.memory_space<hbm>> -> memref<1x128x128xf32, #tpu.memory_space<hbm>>
      %dma_wait3A_82 = tpu.memref_squeeze %dma_wait3A_81 : memref<1x128x128xf32, #tpu.memory_space<hbm>> -> memref<128x128xf32, #tpu.memory_space<hbm>>
      %dma_wait3A_83 = arith.constant 0 : i32
      %dma_wait3A_84 = tpu.memref_slice %arg3[%arg0, %mul3A_57, %dma_wait3A_83] : memref<2x10240x128xf32, #tpu.memory_space<hbm>> -> memref<1x128x128xf32, #tpu.memory_space<hbm>>
      %dma_wait3A_85 = tpu.memref_squeeze %dma_wait3A_84 : memref<1x128x128xf32, #tpu.memory_space<hbm>> -> memref<128x128xf32, #tpu.memory_space<hbm>>
      tpu.wait_dma2 semaphore(%run_scoped3A : memref<!tpu.dma_semaphore, #tpu.memory_space<semaphore_mem>>) src(%arg6 : memref<128x128xf32, #tpu.memory_space<vmem>>) dst(%dma_wait3A_85 : memref<128x128xf32, #tpu.memory_space<hbm>>)
      tpu.yield
    }) : () -> ()
    %mul3A_58 = arith.constant 5 : i32
    %mul3A_59 = arith.muli %arg1, %mul3A_58 : i32
    %add3A_60 = arith.constant 2 : i32
    %add3A_61 = arith.addi %mul3A_59, %add3A_60 : i32
    %mul3A_62 = arith.constant 128 : i32
    %mul3A_63 = arith.muli %add3A_61, %mul3A_62 : i32
    "tpu.region"() ({
      %run_scoped3A = tpu.sem_alloc : memref<!tpu.dma_semaphore, #tpu.memory_space<semaphore_mem>>
      %dma_start3A = arith.constant 0 : i32
      %dma_start3A_76 = tpu.memref_slice %arg7[%mul3A_63, %dma_start3A] : memref<10240x128xf32, #tpu.memory_space<vmem_shared>> -> memref<128x128xf32, #tpu.memory_space<vmem_shared>>
      %dma_start3A_77 = arith.constant 0 : i32
      %dma_start3A_78 = tpu.memref_slice %arg7[%mul3A_63, %dma_start3A_77] : memref<10240x128xf32, #tpu.memory_space<vmem_shared>> -> memref<128x128xf32, #tpu.memory_space<vmem_shared>>
      tpu.enqueue_dma source(%dma_start3A_78 : memref<128x128xf32, #tpu.memory_space<vmem_shared>>) target(%arg6 : memref<128x128xf32, #tpu.memory_space<vmem>>) target_semaphore(%run_scoped3A : memref<!tpu.dma_semaphore, #tpu.memory_space<semaphore_mem>>)
      %dma_wait3A = arith.constant 0 : i32
      %dma_wait3A_79 = tpu.memref_slice %arg7[%mul3A_63, %dma_wait3A] : memref<10240x128xf32, #tpu.memory_space<vmem_shared>> -> memref<128x128xf32, #tpu.memory_space<vmem_shared>>
      %dma_wait3A_80 = arith.constant 0 : i32
      %dma_wait3A_81 = tpu.memref_slice %arg7[%mul3A_63, %dma_wait3A_80] : memref<10240x128xf32, #tpu.memory_space<vmem_shared>> -> memref<128x128xf32, #tpu.memory_space<vmem_shared>>
      tpu.wait_dma2 semaphore(%run_scoped3A : memref<!tpu.dma_semaphore, #tpu.memory_space<semaphore_mem>>) src(%dma_wait3A_81 : memref<128x128xf32, #tpu.memory_space<vmem_shared>>) dst(%arg6 : memref<128x128xf32, #tpu.memory_space<vmem>>)
      tpu.yield
    }) : () -> ()
    "tpu.region"() ({
      %run_scoped3A = tpu.sem_alloc : memref<!tpu.dma_semaphore, #tpu.memory_space<semaphore_mem>>
      %dma_start3A = arith.constant 0 : i32
      %dma_start3A_76 = tpu.memref_slice %arg3[%arg0, %mul3A_63, %dma_start3A] : memref<2x10240x128xf32, #tpu.memory_space<hbm>> -> memref<1x128x128xf32, #tpu.memory_space<hbm>>
      %dma_start3A_77 = tpu.memref_squeeze %dma_start3A_76 : memref<1x128x128xf32, #tpu.memory_space<hbm>> -> memref<128x128xf32, #tpu.memory_space<hbm>>
      %dma_start3A_78 = arith.constant 0 : i32
      %dma_start3A_79 = tpu.memref_slice %arg3[%arg0, %mul3A_63, %dma_start3A_78] : memref<2x10240x128xf32, #tpu.memory_space<hbm>> -> memref<1x128x128xf32, #tpu.memory_space<hbm>>
      %dma_start3A_80 = tpu.memref_squeeze %dma_start3A_79 : memref<1x128x128xf32, #tpu.memory_space<hbm>> -> memref<128x128xf32, #tpu.memory_space<hbm>>
      tpu.enqueue_dma source(%arg6 : memref<128x128xf32, #tpu.memory_space<vmem>>) target(%dma_start3A_80 : memref<128x128xf32, #tpu.memory_space<hbm>>) target_semaphore(%run_scoped3A : memref<!tpu.dma_semaphore, #tpu.memory_space<semaphore_mem>>)
      %dma_wait3A = arith.constant 0 : i32
      %dma_wait3A_81 = tpu.memref_slice %arg3[%arg0, %mul3A_63, %dma_wait3A] : memref<2x10240x128xf32, #tpu.memory_space<hbm>> -> memref<1x128x128xf32, #tpu.memory_space<hbm>>
      %dma_wait3A_82 = tpu.memref_squeeze %dma_wait3A_81 : memref<1x128x128xf32, #tpu.memory_space<hbm>> -> memref<128x128xf32, #tpu.memory_space<hbm>>
      %dma_wait3A_83 = arith.constant 0 : i32
      %dma_wait3A_84 = tpu.memref_slice %arg3[%arg0, %mul3A_63, %dma_wait3A_83] : memref<2x10240x128xf32, #tpu.memory_space<hbm>> -> memref<1x128x128xf32, #tpu.memory_space<hbm>>
      %dma_wait3A_85 = tpu.memref_squeeze %dma_wait3A_84 : memref<1x128x128xf32, #tpu.memory_space<hbm>> -> memref<128x128xf32, #tpu.memory_space<hbm>>
      tpu.wait_dma2 semaphore(%run_scoped3A : memref<!tpu.dma_semaphore, #tpu.memory_space<semaphore_mem>>) src(%arg6 : memref<128x128xf32, #tpu.memory_space<vmem>>) dst(%dma_wait3A_85 : memref<128x128xf32, #tpu.memory_space<hbm>>)
      tpu.yield
    }) : () -> ()
    %mul3A_64 = arith.constant 5 : i32
    %mul3A_65 = arith.muli %arg1, %mul3A_64 : i32
    %add3A_66 = arith.constant 3 : i32
    %add3A_67 = arith.addi %mul3A_65, %add3A_66 : i32
    %mul3A_68 = arith.constant 128 : i32
    %mul3A_69 = arith.muli %add3A_67, %mul3A_68 : i32
    "tpu.region"() ({
      %run_scoped3A = tpu.sem_alloc : memref<!tpu.dma_semaphore, #tpu.memory_space<semaphore_mem>>
      %dma_start3A = arith.constant 0 : i32
      %dma_start3A_76 = tpu.memref_slice %arg7[%mul3A_69, %dma_start3A] : memref<10240x128xf32, #tpu.memory_space<vmem_shared>> -> memref<128x128xf32, #tpu.memory_space<vmem_shared>>
      %dma_start3A_77 = arith.constant 0 : i32
      %dma_start3A_78 = tpu.memref_slice %arg7[%mul3A_69, %dma_start3A_77] : memref<10240x128xf32, #tpu.memory_space<vmem_shared>> -> memref<128x128xf32, #tpu.memory_space<vmem_shared>>
      tpu.enqueue_dma source(%dma_start3A_78 : memref<128x128xf32, #tpu.memory_space<vmem_shared>>) target(%arg6 : memref<128x128xf32, #tpu.memory_space<vmem>>) target_semaphore(%run_scoped3A : memref<!tpu.dma_semaphore, #tpu.memory_space<semaphore_mem>>)
      %dma_wait3A = arith.constant 0 : i32
      %dma_wait3A_79 = tpu.memref_slice %arg7[%mul3A_69, %dma_wait3A] : memref<10240x128xf32, #tpu.memory_space<vmem_shared>> -> memref<128x128xf32, #tpu.memory_space<vmem_shared>>
      %dma_wait3A_80 = arith.constant 0 : i32
      %dma_wait3A_81 = tpu.memref_slice %arg7[%mul3A_69, %dma_wait3A_80] : memref<10240x128xf32, #tpu.memory_space<vmem_shared>> -> memref<128x128xf32, #tpu.memory_space<vmem_shared>>
      tpu.wait_dma2 semaphore(%run_scoped3A : memref<!tpu.dma_semaphore, #tpu.memory_space<semaphore_mem>>) src(%dma_wait3A_81 : memref<128x128xf32, #tpu.memory_space<vmem_shared>>) dst(%arg6 : memref<128x128xf32, #tpu.memory_space<vmem>>)
      tpu.yield
    }) : () -> ()
    "tpu.region"() ({
      %run_scoped3A = tpu.sem_alloc : memref<!tpu.dma_semaphore, #tpu.memory_space<semaphore_mem>>
      %dma_start3A = arith.constant 0 : i32
      %dma_start3A_76 = tpu.memref_slice %arg3[%arg0, %mul3A_69, %dma_start3A] : memref<2x10240x128xf32, #tpu.memory_space<hbm>> -> memref<1x128x128xf32, #tpu.memory_space<hbm>>
      %dma_start3A_77 = tpu.memref_squeeze %dma_start3A_76 : memref<1x128x128xf32, #tpu.memory_space<hbm>> -> memref<128x128xf32, #tpu.memory_space<hbm>>
      %dma_start3A_78 = arith.constant 0 : i32
      %dma_start3A_79 = tpu.memref_slice %arg3[%arg0, %mul3A_69, %dma_start3A_78] : memref<2x10240x128xf32, #tpu.memory_space<hbm>> -> memref<1x128x128xf32, #tpu.memory_space<hbm>>
      %dma_start3A_80 = tpu.memref_squeeze %dma_start3A_79 : memref<1x128x128xf32, #tpu.memory_space<hbm>> -> memref<128x128xf32, #tpu.memory_space<hbm>>
      tpu.enqueue_dma source(%arg6 : memref<128x128xf32, #tpu.memory_space<vmem>>) target(%dma_start3A_80 : memref<128x128xf32, #tpu.memory_space<hbm>>) target_semaphore(%run_scoped3A : memref<!tpu.dma_semaphore, #tpu.memory_space<semaphore_mem>>)
      %dma_wait3A = arith.constant 0 : i32
      %dma_wait3A_81 = tpu.memref_slice %arg3[%arg0, %mul3A_69, %dma_wait3A] : memref<2x10240x128xf32, #tpu.memory_space<hbm>> -> memref<1x128x128xf32, #tpu.memory_space<hbm>>
      %dma_wait3A_82 = tpu.memref_squeeze %dma_wait3A_81 : memref<1x128x128xf32, #tpu.memory_space<hbm>> -> memref<128x128xf32, #tpu.memory_space<hbm>>
      %dma_wait3A_83 = arith.constant 0 : i32
      %dma_wait3A_84 = tpu.memref_slice %arg3[%arg0, %mul3A_69, %dma_wait3A_83] : memref<2x10240x128xf32, #tpu.memory_space<hbm>> -> memref<1x128x128xf32, #tpu.memory_space<hbm>>
      %dma_wait3A_85 = tpu.memref_squeeze %dma_wait3A_84 : memref<1x128x128xf32, #tpu.memory_space<hbm>> -> memref<128x128xf32, #tpu.memory_space<hbm>>
      tpu.wait_dma2 semaphore(%run_scoped3A : memref<!tpu.dma_semaphore, #tpu.memory_space<semaphore_mem>>) src(%arg6 : memref<128x128xf32, #tpu.memory_space<vmem>>) dst(%dma_wait3A_85 : memref<128x128xf32, #tpu.memory_space<hbm>>)
      tpu.yield
    }) : () -> ()
    %mul3A_70 = arith.constant 5 : i32
    %mul3A_71 = arith.muli %arg1, %mul3A_70 : i32
    %add3A_72 = arith.constant 4 : i32
    %add3A_73 = arith.addi %mul3A_71, %add3A_72 : i32
    %mul3A_74 = arith.constant 128 : i32
    %mul3A_75 = arith.muli %add3A_73, %mul3A_74 : i32
    "tpu.region"() ({
      %run_scoped3A = tpu.sem_alloc : memref<!tpu.dma_semaphore, #tpu.memory_space<semaphore_mem>>
      %dma_start3A = arith.constant 0 : i32
      %dma_start3A_76 = tpu.memref_slice %arg7[%mul3A_75, %dma_start3A] : memref<10240x128xf32, #tpu.memory_space<vmem_shared>> -> memref<128x128xf32, #tpu.memory_space<vmem_shared>>
      %dma_start3A_77 = arith.constant 0 : i32
      %dma_start3A_78 = tpu.memref_slice %arg7[%mul3A_75, %dma_start3A_77] : memref<10240x128xf32, #tpu.memory_space<vmem_shared>> -> memref<128x128xf32, #tpu.memory_space<vmem_shared>>
      tpu.enqueue_dma source(%dma_start3A_78 : memref<128x128xf32, #tpu.memory_space<vmem_shared>>) target(%arg6 : memref<128x128xf32, #tpu.memory_space<vmem>>) target_semaphore(%run_scoped3A : memref<!tpu.dma_semaphore, #tpu.memory_space<semaphore_mem>>)
      %dma_wait3A = arith.constant 0 : i32
      %dma_wait3A_79 = tpu.memref_slice %arg7[%mul3A_75, %dma_wait3A] : memref<10240x128xf32, #tpu.memory_space<vmem_shared>> -> memref<128x128xf32, #tpu.memory_space<vmem_shared>>
      %dma_wait3A_80 = arith.constant 0 : i32
      %dma_wait3A_81 = tpu.memref_slice %arg7[%mul3A_75, %dma_wait3A_80] : memref<10240x128xf32, #tpu.memory_space<vmem_shared>> -> memref<128x128xf32, #tpu.memory_space<vmem_shared>>
      tpu.wait_dma2 semaphore(%run_scoped3A : memref<!tpu.dma_semaphore, #tpu.memory_space<semaphore_mem>>) src(%dma_wait3A_81 : memref<128x128xf32, #tpu.memory_space<vmem_shared>>) dst(%arg6 : memref<128x128xf32, #tpu.memory_space<vmem>>)
      tpu.yield
    }) : () -> ()
    "tpu.region"() ({
      %run_scoped3A = tpu.sem_alloc : memref<!tpu.dma_semaphore, #tpu.memory_space<semaphore_mem>>
      %dma_start3A = arith.constant 0 : i32
      %dma_start3A_76 = tpu.memref_slice %arg3[%arg0, %mul3A_75, %dma_start3A] : memref<2x10240x128xf32, #tpu.memory_space<hbm>> -> memref<1x128x128xf32, #tpu.memory_space<hbm>>
      %dma_start3A_77 = tpu.memref_squeeze %dma_start3A_76 : memref<1x128x128xf32, #tpu.memory_space<hbm>> -> memref<128x128xf32, #tpu.memory_space<hbm>>
      %dma_start3A_78 = arith.constant 0 : i32
      %dma_start3A_79 = tpu.memref_slice %arg3[%arg0, %mul3A_75, %dma_start3A_78] : memref<2x10240x128xf32, #tpu.memory_space<hbm>> -> memref<1x128x128xf32, #tpu.memory_space<hbm>>
      %dma_start3A_80 = tpu.memref_squeeze %dma_start3A_79 : memref<1x128x128xf32, #tpu.memory_space<hbm>> -> memref<128x128xf32, #tpu.memory_space<hbm>>
      tpu.enqueue_dma source(%arg6 : memref<128x128xf32, #tpu.memory_space<vmem>>) target(%dma_start3A_80 : memref<128x128xf32, #tpu.memory_space<hbm>>) target_semaphore(%run_scoped3A : memref<!tpu.dma_semaphore, #tpu.memory_space<semaphore_mem>>)
      %dma_wait3A = arith.constant 0 : i32
      %dma_wait3A_81 = tpu.memref_slice %arg3[%arg0, %mul3A_75, %dma_wait3A] : memref<2x10240x128xf32, #tpu.memory_space<hbm>> -> memref<1x128x128xf32, #tpu.memory_space<hbm>>
      %dma_wait3A_82 = tpu.memref_squeeze %dma_wait3A_81 : memref<1x128x128xf32, #tpu.memory_space<hbm>> -> memref<128x128xf32, #tpu.memory_space<hbm>>
      %dma_wait3A_83 = arith.constant 0 : i32
      %dma_wait3A_84 = tpu.memref_slice %arg3[%arg0, %mul3A_75, %dma_wait3A_83] : memref<2x10240x128xf32, #tpu.memory_space<hbm>> -> memref<1x128x128xf32, #tpu.memory_space<hbm>>
      %dma_wait3A_85 = tpu.memref_squeeze %dma_wait3A_84 : memref<1x128x128xf32, #tpu.memory_space<hbm>> -> memref<128x128xf32, #tpu.memory_space<hbm>>
      tpu.wait_dma2 semaphore(%run_scoped3A : memref<!tpu.dma_semaphore, #tpu.memory_space<semaphore_mem>>) src(%arg6 : memref<128x128xf32, #tpu.memory_space<vmem>>) dst(%dma_wait3A_85 : memref<128x128xf32, #tpu.memory_space<hbm>>)
      tpu.yield
    }) : () -> ()
    return
  }
}

#map = affine_map<(d0, d1) -> (0, 0)>
#map1 = affine_map<(d0, d1) -> (0)>
#map2 = affine_map<(d0, d1) -> (0, 0, 0)>
module attributes {stable_mosaic.version = 14 : i64} {
  func.func @k(%arg0: i32, %arg1: i32, %arg2: memref<10000x128xf32, #tpu.memory_space<hbm>>, %arg3: memref<323584xi32, #tpu.memory_space<hbm>>, %arg4: memref<323584xi32, #tpu.memory_space<hbm>>, %arg5: memref<2x10240x128xf32, #tpu.memory_space<hbm>>, %arg6: memref<128xi32, #tpu.memory_space<vmem>>, %arg7: memref<128xi32, #tpu.memory_space<vmem>>, %arg8: memref<128x128xf32, #tpu.memory_space<vmem>>, %arg9: memref<10240x128xf32, #tpu.memory_space<vmem_shared>>, %arg10: memref<!tpu.dma_semaphore, #tpu.memory_space<semaphore_mem>>) attributes {dimension_semantics = [#tpu.dimension_semantics<core_parallel>, #tpu.dimension_semantics<subcore_parallel>], iteration_bounds = array<i64: 2, 16>, scalar_prefetch = 0 : i64, scratch_operands = 5 : i64, tpu.core_type = #tpu.core_type<sc_vector_subcore>, window_params = [{transform_indices = #map}, {transform_indices = #map1}, {transform_indices = #map1}, {transform_indices = #map2}]} {
    %mul3A = arith.constant 16 : i32
    %mul3A_0 = arith.muli %arg0, %mul3A : i32
    %add3A = arith.addi %mul3A_0, %arg1 : i32
    %broadcast_in_dim3A = arith.constant 0.000000e+00 : f32
    %broadcast_in_dim3A_1 = vector.broadcast %broadcast_in_dim3A : f32 to vector<16xf32>
    %scan3A = arith.constant 0 : i32
    %scan3A_2 = arith.constant 0 : i32
    %scan3A_3 = arith.constant 128 : i32
    %scan3A_4 = arith.addi %scan3A_2, %scan3A_3 : i32
    %scan3A_5 = arith.constant 1 : i32
    scf.for %scan3A_74 = %scan3A_2 to %scan3A_4 step %scan3A_5  : i32 {
      %swap3A = arith.index_cast %scan3A_74 : i32 to index
      %swap3A_75 = arith.constant 0 : index
      %swap3A_76 = tpu.vector_load %arg8[%swap3A, %swap3A_75] {strides = array<i32>} : memref<128x128xf32, #tpu.memory_space<vmem>>, vector<1x16xf32>,
      %swap3A_77 = vector.shape_cast %swap3A_76 : vector<1x16xf32> to vector<16xf32>
      %swap3A_78 = vector.shape_cast %broadcast_in_dim3A_1 : vector<16xf32> to vector<1x16xf32>
      tpu.vector_store %arg8[%swap3A, %swap3A_75], %swap3A_78 {strides = array<i32>} : memref<128x128xf32, #tpu.memory_space<vmem>>, vector<1x16xf32>,
      %swap3A_79 = arith.index_cast %scan3A_74 : i32 to index
      %swap3A_80 = arith.constant 16 : index
      %swap3A_81 = tpu.vector_load %arg8[%swap3A_79, %swap3A_80] {strides = array<i32>} : memref<128x128xf32, #tpu.memory_space<vmem>>, vector<1x16xf32>,
      %swap3A_82 = vector.shape_cast %swap3A_81 : vector<1x16xf32> to vector<16xf32>
      %swap3A_83 = vector.shape_cast %broadcast_in_dim3A_1 : vector<16xf32> to vector<1x16xf32>
      tpu.vector_store %arg8[%swap3A_79, %swap3A_80], %swap3A_83 {strides = array<i32>} : memref<128x128xf32, #tpu.memory_space<vmem>>, vector<1x16xf32>,
      %swap3A_84 = arith.index_cast %scan3A_74 : i32 to index
      %swap3A_85 = arith.constant 32 : index
      %swap3A_86 = tpu.vector_load %arg8[%swap3A_84, %swap3A_85] {strides = array<i32>} : memref<128x128xf32, #tpu.memory_space<vmem>>, vector<1x16xf32>,
      %swap3A_87 = vector.shape_cast %swap3A_86 : vector<1x16xf32> to vector<16xf32>
      %swap3A_88 = vector.shape_cast %broadcast_in_dim3A_1 : vector<16xf32> to vector<1x16xf32>
      tpu.vector_store %arg8[%swap3A_84, %swap3A_85], %swap3A_88 {strides = array<i32>} : memref<128x128xf32, #tpu.memory_space<vmem>>, vector<1x16xf32>,
      %swap3A_89 = arith.index_cast %scan3A_74 : i32 to index
      %swap3A_90 = arith.constant 48 : index
      %swap3A_91 = tpu.vector_load %arg8[%swap3A_89, %swap3A_90] {strides = array<i32>} : memref<128x128xf32, #tpu.memory_space<vmem>>, vector<1x16xf32>,
      %swap3A_92 = vector.shape_cast %swap3A_91 : vector<1x16xf32> to vector<16xf32>
      %swap3A_93 = vector.shape_cast %broadcast_in_dim3A_1 : vector<16xf32> to vector<1x16xf32>
      tpu.vector_store %arg8[%swap3A_89, %swap3A_90], %swap3A_93 {strides = array<i32>} : memref<128x128xf32, #tpu.memory_space<vmem>>, vector<1x16xf32>,
      %swap3A_94 = arith.index_cast %scan3A_74 : i32 to index
      %swap3A_95 = arith.constant 64 : index
      %swap3A_96 = tpu.vector_load %arg8[%swap3A_94, %swap3A_95] {strides = array<i32>} : memref<128x128xf32, #tpu.memory_space<vmem>>, vector<1x16xf32>,
      %swap3A_97 = vector.shape_cast %swap3A_96 : vector<1x16xf32> to vector<16xf32>
      %swap3A_98 = vector.shape_cast %broadcast_in_dim3A_1 : vector<16xf32> to vector<1x16xf32>
      tpu.vector_store %arg8[%swap3A_94, %swap3A_95], %swap3A_98 {strides = array<i32>} : memref<128x128xf32, #tpu.memory_space<vmem>>, vector<1x16xf32>,
      %swap3A_99 = arith.index_cast %scan3A_74 : i32 to index
      %swap3A_100 = arith.constant 80 : index
      %swap3A_101 = tpu.vector_load %arg8[%swap3A_99, %swap3A_100] {strides = array<i32>} : memref<128x128xf32, #tpu.memory_space<vmem>>, vector<1x16xf32>,
      %swap3A_102 = vector.shape_cast %swap3A_101 : vector<1x16xf32> to vector<16xf32>
      %swap3A_103 = vector.shape_cast %broadcast_in_dim3A_1 : vector<16xf32> to vector<1x16xf32>
      tpu.vector_store %arg8[%swap3A_99, %swap3A_100], %swap3A_103 {strides = array<i32>} : memref<128x128xf32, #tpu.memory_space<vmem>>, vector<1x16xf32>,
      %swap3A_104 = arith.index_cast %scan3A_74 : i32 to index
      %swap3A_105 = arith.constant 96 : index
      %swap3A_106 = tpu.vector_load %arg8[%swap3A_104, %swap3A_105] {strides = array<i32>} : memref<128x128xf32, #tpu.memory_space<vmem>>, vector<1x16xf32>,
      %swap3A_107 = vector.shape_cast %swap3A_106 : vector<1x16xf32> to vector<16xf32>
      %swap3A_108 = vector.shape_cast %broadcast_in_dim3A_1 : vector<16xf32> to vector<1x16xf32>
      tpu.vector_store %arg8[%swap3A_104, %swap3A_105], %swap3A_108 {strides = array<i32>} : memref<128x128xf32, #tpu.memory_space<vmem>>, vector<1x16xf32>,
      %swap3A_109 = arith.index_cast %scan3A_74 : i32 to index
      %swap3A_110 = arith.constant 112 : index
      %swap3A_111 = tpu.vector_load %arg8[%swap3A_109, %swap3A_110] {strides = array<i32>} : memref<128x128xf32, #tpu.memory_space<vmem>>, vector<1x16xf32>,
      %swap3A_112 = vector.shape_cast %swap3A_111 : vector<1x16xf32> to vector<16xf32>
      %swap3A_113 = vector.shape_cast %broadcast_in_dim3A_1 : vector<16xf32> to vector<1x16xf32>
      tpu.vector_store %arg8[%swap3A_109, %swap3A_110], %swap3A_113 {strides = array<i32>} : memref<128x128xf32, #tpu.memory_space<vmem>>, vector<1x16xf32>,
    }
    %scan3A_6 = arith.constant 128 : i32
    %mul3A_7 = arith.constant 5 : i32
    %mul3A_8 = arith.muli %arg1, %mul3A_7 : i32
    %add3A_9 = arith.constant 0 : i32
    %add3A_10 = arith.addi %mul3A_8, %add3A_9 : i32
    %mul3A_11 = arith.constant 128 : i32
    %mul3A_12 = arith.muli %add3A_10, %mul3A_11 : i32
    "tpu.region"() ({
      %run_scoped3A = tpu.sem_alloc : memref<!tpu.dma_semaphore, #tpu.memory_space<semaphore_mem>>
      %dma_start3A = arith.constant 0 : i32
      %dma_start3A_74 = tpu.memref_slice %arg9[%mul3A_12, %dma_start3A] : memref<10240x128xf32, #tpu.memory_space<vmem_shared>> -> memref<128x128xf32, #tpu.memory_space<vmem_shared>>
      %dma_start3A_75 = arith.constant 0 : i32
      %dma_start3A_76 = tpu.memref_slice %arg9[%mul3A_12, %dma_start3A_75] : memref<10240x128xf32, #tpu.memory_space<vmem_shared>> -> memref<128x128xf32, #tpu.memory_space<vmem_shared>>
      tpu.enqueue_dma source(%arg8 : memref<128x128xf32, #tpu.memory_space<vmem>>) target(%dma_start3A_76 : memref<128x128xf32, #tpu.memory_space<vmem_shared>>) target_semaphore(%run_scoped3A : memref<!tpu.dma_semaphore, #tpu.memory_space<semaphore_mem>>)
      %dma_wait3A = arith.constant 0 : i32
      %dma_wait3A_77 = tpu.memref_slice %arg9[%mul3A_12, %dma_wait3A] : memref<10240x128xf32, #tpu.memory_space<vmem_shared>> -> memref<128x128xf32, #tpu.memory_space<vmem_shared>>
      %dma_wait3A_78 = arith.constant 0 : i32
      %dma_wait3A_79 = tpu.memref_slice %arg9[%mul3A_12, %dma_wait3A_78] : memref<10240x128xf32, #tpu.memory_space<vmem_shared>> -> memref<128x128xf32, #tpu.memory_space<vmem_shared>>
      tpu.wait_dma2 semaphore(%run_scoped3A : memref<!tpu.dma_semaphore, #tpu.memory_space<semaphore_mem>>) src(%arg8 : memref<128x128xf32, #tpu.memory_space<vmem>>) dst(%dma_wait3A_79 : memref<128x128xf32, #tpu.memory_space<vmem_shared>>)
      tpu.yield
    }) : () -> ()
    %mul3A_13 = arith.constant 5 : i32
    %mul3A_14 = arith.muli %arg1, %mul3A_13 : i32
    %add3A_15 = arith.constant 1 : i32
    %add3A_16 = arith.addi %mul3A_14, %add3A_15 : i32
    %mul3A_17 = arith.constant 128 : i32
    %mul3A_18 = arith.muli %add3A_16, %mul3A_17 : i32
    "tpu.region"() ({
      %run_scoped3A = tpu.sem_alloc : memref<!tpu.dma_semaphore, #tpu.memory_space<semaphore_mem>>
      %dma_start3A = arith.constant 0 : i32
      %dma_start3A_74 = tpu.memref_slice %arg9[%mul3A_18, %dma_start3A] : memref<10240x128xf32, #tpu.memory_space<vmem_shared>> -> memref<128x128xf32, #tpu.memory_space<vmem_shared>>
      %dma_start3A_75 = arith.constant 0 : i32
      %dma_start3A_76 = tpu.memref_slice %arg9[%mul3A_18, %dma_start3A_75] : memref<10240x128xf32, #tpu.memory_space<vmem_shared>> -> memref<128x128xf32, #tpu.memory_space<vmem_shared>>
      tpu.enqueue_dma source(%arg8 : memref<128x128xf32, #tpu.memory_space<vmem>>) target(%dma_start3A_76 : memref<128x128xf32, #tpu.memory_space<vmem_shared>>) target_semaphore(%run_scoped3A : memref<!tpu.dma_semaphore, #tpu.memory_space<semaphore_mem>>)
      %dma_wait3A = arith.constant 0 : i32
      %dma_wait3A_77 = tpu.memref_slice %arg9[%mul3A_18, %dma_wait3A] : memref<10240x128xf32, #tpu.memory_space<vmem_shared>> -> memref<128x128xf32, #tpu.memory_space<vmem_shared>>
      %dma_wait3A_78 = arith.constant 0 : i32
      %dma_wait3A_79 = tpu.memref_slice %arg9[%mul3A_18, %dma_wait3A_78] : memref<10240x128xf32, #tpu.memory_space<vmem_shared>> -> memref<128x128xf32, #tpu.memory_space<vmem_shared>>
      tpu.wait_dma2 semaphore(%run_scoped3A : memref<!tpu.dma_semaphore, #tpu.memory_space<semaphore_mem>>) src(%arg8 : memref<128x128xf32, #tpu.memory_space<vmem>>) dst(%dma_wait3A_79 : memref<128x128xf32, #tpu.memory_space<vmem_shared>>)
      tpu.yield
    }) : () -> ()
    %mul3A_19 = arith.constant 5 : i32
    %mul3A_20 = arith.muli %arg1, %mul3A_19 : i32
    %add3A_21 = arith.constant 2 : i32
    %add3A_22 = arith.addi %mul3A_20, %add3A_21 : i32
    %mul3A_23 = arith.constant 128 : i32
    %mul3A_24 = arith.muli %add3A_22, %mul3A_23 : i32
    "tpu.region"() ({
      %run_scoped3A = tpu.sem_alloc : memref<!tpu.dma_semaphore, #tpu.memory_space<semaphore_mem>>
      %dma_start3A = arith.constant 0 : i32
      %dma_start3A_74 = tpu.memref_slice %arg9[%mul3A_24, %dma_start3A] : memref<10240x128xf32, #tpu.memory_space<vmem_shared>> -> memref<128x128xf32, #tpu.memory_space<vmem_shared>>
      %dma_start3A_75 = arith.constant 0 : i32
      %dma_start3A_76 = tpu.memref_slice %arg9[%mul3A_24, %dma_start3A_75] : memref<10240x128xf32, #tpu.memory_space<vmem_shared>> -> memref<128x128xf32, #tpu.memory_space<vmem_shared>>
      tpu.enqueue_dma source(%arg8 : memref<128x128xf32, #tpu.memory_space<vmem>>) target(%dma_start3A_76 : memref<128x128xf32, #tpu.memory_space<vmem_shared>>) target_semaphore(%run_scoped3A : memref<!tpu.dma_semaphore, #tpu.memory_space<semaphore_mem>>)
      %dma_wait3A = arith.constant 0 : i32
      %dma_wait3A_77 = tpu.memref_slice %arg9[%mul3A_24, %dma_wait3A] : memref<10240x128xf32, #tpu.memory_space<vmem_shared>> -> memref<128x128xf32, #tpu.memory_space<vmem_shared>>
      %dma_wait3A_78 = arith.constant 0 : i32
      %dma_wait3A_79 = tpu.memref_slice %arg9[%mul3A_24, %dma_wait3A_78] : memref<10240x128xf32, #tpu.memory_space<vmem_shared>> -> memref<128x128xf32, #tpu.memory_space<vmem_shared>>
      tpu.wait_dma2 semaphore(%run_scoped3A : memref<!tpu.dma_semaphore, #tpu.memory_space<semaphore_mem>>) src(%arg8 : memref<128x128xf32, #tpu.memory_space<vmem>>) dst(%dma_wait3A_79 : memref<128x128xf32, #tpu.memory_space<vmem_shared>>)
      tpu.yield
    }) : () -> ()
    %mul3A_25 = arith.constant 5 : i32
    %mul3A_26 = arith.muli %arg1, %mul3A_25 : i32
    %add3A_27 = arith.constant 3 : i32
    %add3A_28 = arith.addi %mul3A_26, %add3A_27 : i32
    %mul3A_29 = arith.constant 128 : i32
    %mul3A_30 = arith.muli %add3A_28, %mul3A_29 : i32
    "tpu.region"() ({
      %run_scoped3A = tpu.sem_alloc : memref<!tpu.dma_semaphore, #tpu.memory_space<semaphore_mem>>
      %dma_start3A = arith.constant 0 : i32
      %dma_start3A_74 = tpu.memref_slice %arg9[%mul3A_30, %dma_start3A] : memref<10240x128xf32, #tpu.memory_space<vmem_shared>> -> memref<128x128xf32, #tpu.memory_space<vmem_shared>>
      %dma_start3A_75 = arith.constant 0 : i32
      %dma_start3A_76 = tpu.memref_slice %arg9[%mul3A_30, %dma_start3A_75] : memref<10240x128xf32, #tpu.memory_space<vmem_shared>> -> memref<128x128xf32, #tpu.memory_space<vmem_shared>>
      tpu.enqueue_dma source(%arg8 : memref<128x128xf32, #tpu.memory_space<vmem>>) target(%dma_start3A_76 : memref<128x128xf32, #tpu.memory_space<vmem_shared>>) target_semaphore(%run_scoped3A : memref<!tpu.dma_semaphore, #tpu.memory_space<semaphore_mem>>)
      %dma_wait3A = arith.constant 0 : i32
      %dma_wait3A_77 = tpu.memref_slice %arg9[%mul3A_30, %dma_wait3A] : memref<10240x128xf32, #tpu.memory_space<vmem_shared>> -> memref<128x128xf32, #tpu.memory_space<vmem_shared>>
      %dma_wait3A_78 = arith.constant 0 : i32
      %dma_wait3A_79 = tpu.memref_slice %arg9[%mul3A_30, %dma_wait3A_78] : memref<10240x128xf32, #tpu.memory_space<vmem_shared>> -> memref<128x128xf32, #tpu.memory_space<vmem_shared>>
      tpu.wait_dma2 semaphore(%run_scoped3A : memref<!tpu.dma_semaphore, #tpu.memory_space<semaphore_mem>>) src(%arg8 : memref<128x128xf32, #tpu.memory_space<vmem>>) dst(%dma_wait3A_79 : memref<128x128xf32, #tpu.memory_space<vmem_shared>>)
      tpu.yield
    }) : () -> ()
    %mul3A_31 = arith.constant 5 : i32
    %mul3A_32 = arith.muli %arg1, %mul3A_31 : i32
    %add3A_33 = arith.constant 4 : i32
    %add3A_34 = arith.addi %mul3A_32, %add3A_33 : i32
    %mul3A_35 = arith.constant 128 : i32
    %mul3A_36 = arith.muli %add3A_34, %mul3A_35 : i32
    "tpu.region"() ({
      %run_scoped3A = tpu.sem_alloc : memref<!tpu.dma_semaphore, #tpu.memory_space<semaphore_mem>>
      %dma_start3A = arith.constant 0 : i32
      %dma_start3A_74 = tpu.memref_slice %arg9[%mul3A_36, %dma_start3A] : memref<10240x128xf32, #tpu.memory_space<vmem_shared>> -> memref<128x128xf32, #tpu.memory_space<vmem_shared>>
      %dma_start3A_75 = arith.constant 0 : i32
      %dma_start3A_76 = tpu.memref_slice %arg9[%mul3A_36, %dma_start3A_75] : memref<10240x128xf32, #tpu.memory_space<vmem_shared>> -> memref<128x128xf32, #tpu.memory_space<vmem_shared>>
      tpu.enqueue_dma source(%arg8 : memref<128x128xf32, #tpu.memory_space<vmem>>) target(%dma_start3A_76 : memref<128x128xf32, #tpu.memory_space<vmem_shared>>) target_semaphore(%run_scoped3A : memref<!tpu.dma_semaphore, #tpu.memory_space<semaphore_mem>>)
      %dma_wait3A = arith.constant 0 : i32
      %dma_wait3A_77 = tpu.memref_slice %arg9[%mul3A_36, %dma_wait3A] : memref<10240x128xf32, #tpu.memory_space<vmem_shared>> -> memref<128x128xf32, #tpu.memory_space<vmem_shared>>
      %dma_wait3A_78 = arith.constant 0 : i32
      %dma_wait3A_79 = tpu.memref_slice %arg9[%mul3A_36, %dma_wait3A_78] : memref<10240x128xf32, #tpu.memory_space<vmem_shared>> -> memref<128x128xf32, #tpu.memory_space<vmem_shared>>
      tpu.wait_dma2 semaphore(%run_scoped3A : memref<!tpu.dma_semaphore, #tpu.memory_space<semaphore_mem>>) src(%arg8 : memref<128x128xf32, #tpu.memory_space<vmem>>) dst(%dma_wait3A_79 : memref<128x128xf32, #tpu.memory_space<vmem_shared>>)
      tpu.yield
    }) : () -> ()
    %barrier3A = arith.constant 0 : index
    tpu.barrier barrier_id(%barrier3A)
    %scan3A_37 = arith.constant 0 : i32
    %scan3A_38 = arith.constant 0 : i32
    %scan3A_39 = arith.constant 79 : i32
    %scan3A_40 = arith.addi %scan3A_38, %scan3A_39 : i32
    %scan3A_41 = arith.constant 1 : i32
    scf.for %scan3A_74 = %scan3A_38 to %scan3A_40 step %scan3A_41  : i32 {
      %mul3A_75 = arith.constant 79 : i32
      %mul3A_76 = arith.muli %add3A, %mul3A_75 : i32
      %add3A_77 = arith.addi %mul3A_76, %scan3A_74 : i32
      %mul3A_78 = arith.constant 128 : i32
      %mul3A_79 = arith.muli %add3A_77, %mul3A_78 : i32
      "tpu.region"() ({
        %run_scoped3A = tpu.sem_alloc : memref<!tpu.dma_semaphore, #tpu.memory_space<semaphore_mem>>
        %dma_start3A_84 = tpu.memref_slice %arg3[%mul3A_79] : memref<323584xi32, #tpu.memory_space<hbm>> -> memref<128xi32, #tpu.memory_space<hbm>>
        %dma_start3A_85 = tpu.memref_slice %arg3[%mul3A_79] : memref<323584xi32, #tpu.memory_space<hbm>> -> memref<128xi32, #tpu.memory_space<hbm>>
        tpu.enqueue_dma source(%dma_start3A_85 : memref<128xi32, #tpu.memory_space<hbm>>) target(%arg6 : memref<128xi32, #tpu.memory_space<vmem>>) target_semaphore(%run_scoped3A : memref<!tpu.dma_semaphore, #tpu.memory_space<semaphore_mem>>)
        %dma_wait3A_86 = tpu.memref_slice %arg3[%mul3A_79] : memref<323584xi32, #tpu.memory_space<hbm>> -> memref<128xi32, #tpu.memory_space<hbm>>
        %dma_wait3A_87 = tpu.memref_slice %arg3[%mul3A_79] : memref<323584xi32, #tpu.memory_space<hbm>> -> memref<128xi32, #tpu.memory_space<hbm>>
        tpu.wait_dma2 semaphore(%run_scoped3A : memref<!tpu.dma_semaphore, #tpu.memory_space<semaphore_mem>>) src(%dma_wait3A_87 : memref<128xi32, #tpu.memory_space<hbm>>) dst(%arg6 : memref<128xi32, #tpu.memory_space<vmem>>)
        tpu.yield
      }) : () -> ()
      %dma_start3A = arith.constant 0 : i32
      %dma_start3A_80 = arith.constant 0 : i32
      %dma_start3A_81 = tpu.memref_slice %arg2[%dma_start3A, %dma_start3A_80] : memref<10000x128xf32, #tpu.memory_space<hbm>> -> memref<10000x128xf32, #tpu.memory_space<hbm>>
      tpu.enqueue_indirect_dma source(%dma_start3A_81 : memref<10000x128xf32, #tpu.memory_space<hbm>>) target(%arg8 : memref<128x128xf32, #tpu.memory_space<vmem>>) offsets(%arg6 : memref<128xi32, #tpu.memory_space<vmem>>) semaphore(%arg10 : memref<!tpu.dma_semaphore, #tpu.memory_space<semaphore_mem>>)
      %dma_wait3A = arith.constant 0 : i32
      %dma_wait3A_82 = arith.constant 0 : i32
      %dma_wait3A_83 = tpu.memref_slice %arg2[%dma_wait3A, %dma_wait3A_82] : memref<10000x128xf32, #tpu.memory_space<hbm>> -> memref<10000x128xf32, #tpu.memory_space<hbm>>
      tpu.wait_indirect_dma semaphore(%arg10 : memref<!tpu.dma_semaphore, #tpu.memory_space<semaphore_mem>>) src(%dma_wait3A_83 : memref<10000x128xf32, #tpu.memory_space<hbm>>) dst(%arg8 : memref<128x128xf32, #tpu.memory_space<vmem>>)
      "tpu.region"() ({
        %run_scoped3A = tpu.sem_alloc : memref<!tpu.dma_semaphore, #tpu.memory_space<semaphore_mem>>
        %dma_start3A_84 = tpu.memref_slice %arg4[%mul3A_79] : memref<323584xi32, #tpu.memory_space<hbm>> -> memref<128xi32, #tpu.memory_space<hbm>>
        %dma_start3A_85 = tpu.memref_slice %arg4[%mul3A_79] : memref<323584xi32, #tpu.memory_space<hbm>> -> memref<128xi32, #tpu.memory_space<hbm>>
        tpu.enqueue_dma source(%dma_start3A_85 : memref<128xi32, #tpu.memory_space<hbm>>) target(%arg7 : memref<128xi32, #tpu.memory_space<vmem>>) target_semaphore(%run_scoped3A : memref<!tpu.dma_semaphore, #tpu.memory_space<semaphore_mem>>)
        %dma_wait3A_86 = tpu.memref_slice %arg4[%mul3A_79] : memref<323584xi32, #tpu.memory_space<hbm>> -> memref<128xi32, #tpu.memory_space<hbm>>
        %dma_wait3A_87 = tpu.memref_slice %arg4[%mul3A_79] : memref<323584xi32, #tpu.memory_space<hbm>> -> memref<128xi32, #tpu.memory_space<hbm>>
        tpu.wait_dma2 semaphore(%run_scoped3A : memref<!tpu.dma_semaphore, #tpu.memory_space<semaphore_mem>>) src(%dma_wait3A_87 : memref<128xi32, #tpu.memory_space<hbm>>) dst(%arg7 : memref<128xi32, #tpu.memory_space<vmem>>)
        tpu.yield
      }) : () -> ()
      "tpu.region"() ({
        %run_scoped3A = tpu.sem_alloc : memref<!tpu.dma_semaphore, #tpu.memory_space<semaphore_mem>>
        %dma_start3A_84 = arith.constant 0 : i32
        %dma_start3A_85 = arith.constant 0 : i32
        %dma_start3A_86 = tpu.memref_slice %arg9[%dma_start3A_84, %dma_start3A_85] : memref<10240x128xf32, #tpu.memory_space<vmem_shared>> -> memref<10240x128xf32, #tpu.memory_space<vmem_shared>>
        tpu.enqueue_indirect_dma source(%arg8 : memref<128x128xf32, #tpu.memory_space<vmem>>) target(%dma_start3A_86 : memref<10240x128xf32, #tpu.memory_space<vmem_shared>>) offsets(%arg7 : memref<128xi32, #tpu.memory_space<vmem>>) semaphore(%run_scoped3A : memref<!tpu.dma_semaphore, #tpu.memory_space<semaphore_mem>>) {add = true}
        %dma_wait3A_87 = arith.constant 0 : i32
        %dma_wait3A_88 = arith.constant 0 : i32
        %dma_wait3A_89 = tpu.memref_slice %arg9[%dma_wait3A_87, %dma_wait3A_88] : memref<10240x128xf32, #tpu.memory_space<vmem_shared>> -> memref<10240x128xf32, #tpu.memory_space<vmem_shared>>
        tpu.wait_indirect_dma semaphore(%run_scoped3A : memref<!tpu.dma_semaphore, #tpu.memory_space<semaphore_mem>>) src(%arg8 : memref<128x128xf32, #tpu.memory_space<vmem>>) dst(%dma_wait3A_89 : memref<10240x128xf32, #tpu.memory_space<vmem_shared>>)
        tpu.yield
      }) : () -> ()
    }
    %scan3A_42 = arith.constant 79 : i32
    %barrier3A_43 = arith.constant 0 : index
    tpu.barrier barrier_id(%barrier3A_43)
    %mul3A_44 = arith.constant 5 : i32
    %mul3A_45 = arith.muli %arg1, %mul3A_44 : i32
    %add3A_46 = arith.constant 0 : i32
    %add3A_47 = arith.addi %mul3A_45, %add3A_46 : i32
    %mul3A_48 = arith.constant 128 : i32
    %mul3A_49 = arith.muli %add3A_47, %mul3A_48 : i32
    "tpu.region"() ({
      %run_scoped3A = tpu.sem_alloc : memref<!tpu.dma_semaphore, #tpu.memory_space<semaphore_mem>>
      %dma_start3A = arith.constant 0 : i32
      %dma_start3A_74 = tpu.memref_slice %arg9[%mul3A_49, %dma_start3A] : memref<10240x128xf32, #tpu.memory_space<vmem_shared>> -> memref<128x128xf32, #tpu.memory_space<vmem_shared>>
      %dma_start3A_75 = arith.constant 0 : i32
      %dma_start3A_76 = tpu.memref_slice %arg9[%mul3A_49, %dma_start3A_75] : memref<10240x128xf32, #tpu.memory_space<vmem_shared>> -> memref<128x128xf32, #tpu.memory_space<vmem_shared>>
      tpu.enqueue_dma source(%dma_start3A_76 : memref<128x128xf32, #tpu.memory_space<vmem_shared>>) target(%arg8 : memref<128x128xf32, #tpu.memory_space<vmem>>) target_semaphore(%run_scoped3A : memref<!tpu.dma_semaphore, #tpu.memory_space<semaphore_mem>>)
      %dma_wait3A = arith.constant 0 : i32
      %dma_wait3A_77 = tpu.memref_slice %arg9[%mul3A_49, %dma_wait3A] : memref<10240x128xf32, #tpu.memory_space<vmem_shared>> -> memref<128x128xf32, #tpu.memory_space<vmem_shared>>
      %dma_wait3A_78 = arith.constant 0 : i32
      %dma_wait3A_79 = tpu.memref_slice %arg9[%mul3A_49, %dma_wait3A_78] : memref<10240x128xf32, #tpu.memory_space<vmem_shared>> -> memref<128x128xf32, #tpu.memory_space<vmem_shared>>
      tpu.wait_dma2 semaphore(%run_scoped3A : memref<!tpu.dma_semaphore, #tpu.memory_space<semaphore_mem>>) src(%dma_wait3A_79 : memref<128x128xf32, #tpu.memory_space<vmem_shared>>) dst(%arg8 : memref<128x128xf32, #tpu.memory_space<vmem>>)
      tpu.yield
    }) : () -> ()
    "tpu.region"() ({
      %run_scoped3A = tpu.sem_alloc : memref<!tpu.dma_semaphore, #tpu.memory_space<semaphore_mem>>
      %dma_start3A = arith.constant 0 : i32
      %dma_start3A_74 = tpu.memref_slice %arg5[%arg0, %mul3A_49, %dma_start3A] : memref<2x10240x128xf32, #tpu.memory_space<hbm>> -> memref<1x128x128xf32, #tpu.memory_space<hbm>>
      %dma_start3A_75 = tpu.memref_squeeze %dma_start3A_74 : memref<1x128x128xf32, #tpu.memory_space<hbm>> -> memref<128x128xf32, #tpu.memory_space<hbm>>
      %dma_start3A_76 = arith.constant 0 : i32
      %dma_start3A_77 = tpu.memref_slice %arg5[%arg0, %mul3A_49, %dma_start3A_76] : memref<2x10240x128xf32, #tpu.memory_space<hbm>> -> memref<1x128x128xf32, #tpu.memory_space<hbm>>
      %dma_start3A_78 = tpu.memref_squeeze %dma_start3A_77 : memref<1x128x128xf32, #tpu.memory_space<hbm>> -> memref<128x128xf32, #tpu.memory_space<hbm>>
      tpu.enqueue_dma source(%arg8 : memref<128x128xf32, #tpu.memory_space<vmem>>) target(%dma_start3A_78 : memref<128x128xf32, #tpu.memory_space<hbm>>) target_semaphore(%run_scoped3A : memref<!tpu.dma_semaphore, #tpu.memory_space<semaphore_mem>>)
      %dma_wait3A = arith.constant 0 : i32
      %dma_wait3A_79 = tpu.memref_slice %arg5[%arg0, %mul3A_49, %dma_wait3A] : memref<2x10240x128xf32, #tpu.memory_space<hbm>> -> memref<1x128x128xf32, #tpu.memory_space<hbm>>
      %dma_wait3A_80 = tpu.memref_squeeze %dma_wait3A_79 : memref<1x128x128xf32, #tpu.memory_space<hbm>> -> memref<128x128xf32, #tpu.memory_space<hbm>>
      %dma_wait3A_81 = arith.constant 0 : i32
      %dma_wait3A_82 = tpu.memref_slice %arg5[%arg0, %mul3A_49, %dma_wait3A_81] : memref<2x10240x128xf32, #tpu.memory_space<hbm>> -> memref<1x128x128xf32, #tpu.memory_space<hbm>>
      %dma_wait3A_83 = tpu.memref_squeeze %dma_wait3A_82 : memref<1x128x128xf32, #tpu.memory_space<hbm>> -> memref<128x128xf32, #tpu.memory_space<hbm>>
      tpu.wait_dma2 semaphore(%run_scoped3A : memref<!tpu.dma_semaphore, #tpu.memory_space<semaphore_mem>>) src(%arg8 : memref<128x128xf32, #tpu.memory_space<vmem>>) dst(%dma_wait3A_83 : memref<128x128xf32, #tpu.memory_space<hbm>>)
      tpu.yield
    }) : () -> ()
    %mul3A_50 = arith.constant 5 : i32
    %mul3A_51 = arith.muli %arg1, %mul3A_50 : i32
    %add3A_52 = arith.constant 1 : i32
    %add3A_53 = arith.addi %mul3A_51, %add3A_52 : i32
    %mul3A_54 = arith.constant 128 : i32
    %mul3A_55 = arith.muli %add3A_53, %mul3A_54 : i32
    "tpu.region"() ({
      %run_scoped3A = tpu.sem_alloc : memref<!tpu.dma_semaphore, #tpu.memory_space<semaphore_mem>>
      %dma_start3A = arith.constant 0 : i32
      %dma_start3A_74 = tpu.memref_slice %arg9[%mul3A_55, %dma_start3A] : memref<10240x128xf32, #tpu.memory_space<vmem_shared>> -> memref<128x128xf32, #tpu.memory_space<vmem_shared>>
      %dma_start3A_75 = arith.constant 0 : i32
      %dma_start3A_76 = tpu.memref_slice %arg9[%mul3A_55, %dma_start3A_75] : memref<10240x128xf32, #tpu.memory_space<vmem_shared>> -> memref<128x128xf32, #tpu.memory_space<vmem_shared>>
      tpu.enqueue_dma source(%dma_start3A_76 : memref<128x128xf32, #tpu.memory_space<vmem_shared>>) target(%arg8 : memref<128x128xf32, #tpu.memory_space<vmem>>) target_semaphore(%run_scoped3A : memref<!tpu.dma_semaphore, #tpu.memory_space<semaphore_mem>>)
      %dma_wait3A = arith.constant 0 : i32
      %dma_wait3A_77 = tpu.memref_slice %arg9[%mul3A_55, %dma_wait3A] : memref<10240x128xf32, #tpu.memory_space<vmem_shared>> -> memref<128x128xf32, #tpu.memory_space<vmem_shared>>
      %dma_wait3A_78 = arith.constant 0 : i32
      %dma_wait3A_79 = tpu.memref_slice %arg9[%mul3A_55, %dma_wait3A_78] : memref<10240x128xf32, #tpu.memory_space<vmem_shared>> -> memref<128x128xf32, #tpu.memory_space<vmem_shared>>
      tpu.wait_dma2 semaphore(%run_scoped3A : memref<!tpu.dma_semaphore, #tpu.memory_space<semaphore_mem>>) src(%dma_wait3A_79 : memref<128x128xf32, #tpu.memory_space<vmem_shared>>) dst(%arg8 : memref<128x128xf32, #tpu.memory_space<vmem>>)
      tpu.yield
    }) : () -> ()
    "tpu.region"() ({
      %run_scoped3A = tpu.sem_alloc : memref<!tpu.dma_semaphore, #tpu.memory_space<semaphore_mem>>
      %dma_start3A = arith.constant 0 : i32
      %dma_start3A_74 = tpu.memref_slice %arg5[%arg0, %mul3A_55, %dma_start3A] : memref<2x10240x128xf32, #tpu.memory_space<hbm>> -> memref<1x128x128xf32, #tpu.memory_space<hbm>>
      %dma_start3A_75 = tpu.memref_squeeze %dma_start3A_74 : memref<1x128x128xf32, #tpu.memory_space<hbm>> -> memref<128x128xf32, #tpu.memory_space<hbm>>
      %dma_start3A_76 = arith.constant 0 : i32
      %dma_start3A_77 = tpu.memref_slice %arg5[%arg0, %mul3A_55, %dma_start3A_76] : memref<2x10240x128xf32, #tpu.memory_space<hbm>> -> memref<1x128x128xf32, #tpu.memory_space<hbm>>
      %dma_start3A_78 = tpu.memref_squeeze %dma_start3A_77 : memref<1x128x128xf32, #tpu.memory_space<hbm>> -> memref<128x128xf32, #tpu.memory_space<hbm>>
      tpu.enqueue_dma source(%arg8 : memref<128x128xf32, #tpu.memory_space<vmem>>) target(%dma_start3A_78 : memref<128x128xf32, #tpu.memory_space<hbm>>) target_semaphore(%run_scoped3A : memref<!tpu.dma_semaphore, #tpu.memory_space<semaphore_mem>>)
      %dma_wait3A = arith.constant 0 : i32
      %dma_wait3A_79 = tpu.memref_slice %arg5[%arg0, %mul3A_55, %dma_wait3A] : memref<2x10240x128xf32, #tpu.memory_space<hbm>> -> memref<1x128x128xf32, #tpu.memory_space<hbm>>
      %dma_wait3A_80 = tpu.memref_squeeze %dma_wait3A_79 : memref<1x128x128xf32, #tpu.memory_space<hbm>> -> memref<128x128xf32, #tpu.memory_space<hbm>>
      %dma_wait3A_81 = arith.constant 0 : i32
      %dma_wait3A_82 = tpu.memref_slice %arg5[%arg0, %mul3A_55, %dma_wait3A_81] : memref<2x10240x128xf32, #tpu.memory_space<hbm>> -> memref<1x128x128xf32, #tpu.memory_space<hbm>>
      %dma_wait3A_83 = tpu.memref_squeeze %dma_wait3A_82 : memref<1x128x128xf32, #tpu.memory_space<hbm>> -> memref<128x128xf32, #tpu.memory_space<hbm>>
      tpu.wait_dma2 semaphore(%run_scoped3A : memref<!tpu.dma_semaphore, #tpu.memory_space<semaphore_mem>>) src(%arg8 : memref<128x128xf32, #tpu.memory_space<vmem>>) dst(%dma_wait3A_83 : memref<128x128xf32, #tpu.memory_space<hbm>>)
      tpu.yield
    }) : () -> ()
    %mul3A_56 = arith.constant 5 : i32
    %mul3A_57 = arith.muli %arg1, %mul3A_56 : i32
    %add3A_58 = arith.constant 2 : i32
    %add3A_59 = arith.addi %mul3A_57, %add3A_58 : i32
    %mul3A_60 = arith.constant 128 : i32
    %mul3A_61 = arith.muli %add3A_59, %mul3A_60 : i32
    "tpu.region"() ({
      %run_scoped3A = tpu.sem_alloc : memref<!tpu.dma_semaphore, #tpu.memory_space<semaphore_mem>>
      %dma_start3A = arith.constant 0 : i32
      %dma_start3A_74 = tpu.memref_slice %arg9[%mul3A_61, %dma_start3A] : memref<10240x128xf32, #tpu.memory_space<vmem_shared>> -> memref<128x128xf32, #tpu.memory_space<vmem_shared>>
      %dma_start3A_75 = arith.constant 0 : i32
      %dma_start3A_76 = tpu.memref_slice %arg9[%mul3A_61, %dma_start3A_75] : memref<10240x128xf32, #tpu.memory_space<vmem_shared>> -> memref<128x128xf32, #tpu.memory_space<vmem_shared>>
      tpu.enqueue_dma source(%dma_start3A_76 : memref<128x128xf32, #tpu.memory_space<vmem_shared>>) target(%arg8 : memref<128x128xf32, #tpu.memory_space<vmem>>) target_semaphore(%run_scoped3A : memref<!tpu.dma_semaphore, #tpu.memory_space<semaphore_mem>>)
      %dma_wait3A = arith.constant 0 : i32
      %dma_wait3A_77 = tpu.memref_slice %arg9[%mul3A_61, %dma_wait3A] : memref<10240x128xf32, #tpu.memory_space<vmem_shared>> -> memref<128x128xf32, #tpu.memory_space<vmem_shared>>
      %dma_wait3A_78 = arith.constant 0 : i32
      %dma_wait3A_79 = tpu.memref_slice %arg9[%mul3A_61, %dma_wait3A_78] : memref<10240x128xf32, #tpu.memory_space<vmem_shared>> -> memref<128x128xf32, #tpu.memory_space<vmem_shared>>
      tpu.wait_dma2 semaphore(%run_scoped3A : memref<!tpu.dma_semaphore, #tpu.memory_space<semaphore_mem>>) src(%dma_wait3A_79 : memref<128x128xf32, #tpu.memory_space<vmem_shared>>) dst(%arg8 : memref<128x128xf32, #tpu.memory_space<vmem>>)
      tpu.yield
    }) : () -> ()
    "tpu.region"() ({
      %run_scoped3A = tpu.sem_alloc : memref<!tpu.dma_semaphore, #tpu.memory_space<semaphore_mem>>
      %dma_start3A = arith.constant 0 : i32
      %dma_start3A_74 = tpu.memref_slice %arg5[%arg0, %mul3A_61, %dma_start3A] : memref<2x10240x128xf32, #tpu.memory_space<hbm>> -> memref<1x128x128xf32, #tpu.memory_space<hbm>>
      %dma_start3A_75 = tpu.memref_squeeze %dma_start3A_74 : memref<1x128x128xf32, #tpu.memory_space<hbm>> -> memref<128x128xf32, #tpu.memory_space<hbm>>
      %dma_start3A_76 = arith.constant 0 : i32
      %dma_start3A_77 = tpu.memref_slice %arg5[%arg0, %mul3A_61, %dma_start3A_76] : memref<2x10240x128xf32, #tpu.memory_space<hbm>> -> memref<1x128x128xf32, #tpu.memory_space<hbm>>
      %dma_start3A_78 = tpu.memref_squeeze %dma_start3A_77 : memref<1x128x128xf32, #tpu.memory_space<hbm>> -> memref<128x128xf32, #tpu.memory_space<hbm>>
      tpu.enqueue_dma source(%arg8 : memref<128x128xf32, #tpu.memory_space<vmem>>) target(%dma_start3A_78 : memref<128x128xf32, #tpu.memory_space<hbm>>) target_semaphore(%run_scoped3A : memref<!tpu.dma_semaphore, #tpu.memory_space<semaphore_mem>>)
      %dma_wait3A = arith.constant 0 : i32
      %dma_wait3A_79 = tpu.memref_slice %arg5[%arg0, %mul3A_61, %dma_wait3A] : memref<2x10240x128xf32, #tpu.memory_space<hbm>> -> memref<1x128x128xf32, #tpu.memory_space<hbm>>
      %dma_wait3A_80 = tpu.memref_squeeze %dma_wait3A_79 : memref<1x128x128xf32, #tpu.memory_space<hbm>> -> memref<128x128xf32, #tpu.memory_space<hbm>>
      %dma_wait3A_81 = arith.constant 0 : i32
      %dma_wait3A_82 = tpu.memref_slice %arg5[%arg0, %mul3A_61, %dma_wait3A_81] : memref<2x10240x128xf32, #tpu.memory_space<hbm>> -> memref<1x128x128xf32, #tpu.memory_space<hbm>>
      %dma_wait3A_83 = tpu.memref_squeeze %dma_wait3A_82 : memref<1x128x128xf32, #tpu.memory_space<hbm>> -> memref<128x128xf32, #tpu.memory_space<hbm>>
      tpu.wait_dma2 semaphore(%run_scoped3A : memref<!tpu.dma_semaphore, #tpu.memory_space<semaphore_mem>>) src(%arg8 : memref<128x128xf32, #tpu.memory_space<vmem>>) dst(%dma_wait3A_83 : memref<128x128xf32, #tpu.memory_space<hbm>>)
      tpu.yield
    }) : () -> ()
    %mul3A_62 = arith.constant 5 : i32
    %mul3A_63 = arith.muli %arg1, %mul3A_62 : i32
    %add3A_64 = arith.constant 3 : i32
    %add3A_65 = arith.addi %mul3A_63, %add3A_64 : i32
    %mul3A_66 = arith.constant 128 : i32
    %mul3A_67 = arith.muli %add3A_65, %mul3A_66 : i32
    "tpu.region"() ({
      %run_scoped3A = tpu.sem_alloc : memref<!tpu.dma_semaphore, #tpu.memory_space<semaphore_mem>>
      %dma_start3A = arith.constant 0 : i32
      %dma_start3A_74 = tpu.memref_slice %arg9[%mul3A_67, %dma_start3A] : memref<10240x128xf32, #tpu.memory_space<vmem_shared>> -> memref<128x128xf32, #tpu.memory_space<vmem_shared>>
      %dma_start3A_75 = arith.constant 0 : i32
      %dma_start3A_76 = tpu.memref_slice %arg9[%mul3A_67, %dma_start3A_75] : memref<10240x128xf32, #tpu.memory_space<vmem_shared>> -> memref<128x128xf32, #tpu.memory_space<vmem_shared>>
      tpu.enqueue_dma source(%dma_start3A_76 : memref<128x128xf32, #tpu.memory_space<vmem_shared>>) target(%arg8 : memref<128x128xf32, #tpu.memory_space<vmem>>) target_semaphore(%run_scoped3A : memref<!tpu.dma_semaphore, #tpu.memory_space<semaphore_mem>>)
      %dma_wait3A = arith.constant 0 : i32
      %dma_wait3A_77 = tpu.memref_slice %arg9[%mul3A_67, %dma_wait3A] : memref<10240x128xf32, #tpu.memory_space<vmem_shared>> -> memref<128x128xf32, #tpu.memory_space<vmem_shared>>
      %dma_wait3A_78 = arith.constant 0 : i32
      %dma_wait3A_79 = tpu.memref_slice %arg9[%mul3A_67, %dma_wait3A_78] : memref<10240x128xf32, #tpu.memory_space<vmem_shared>> -> memref<128x128xf32, #tpu.memory_space<vmem_shared>>
      tpu.wait_dma2 semaphore(%run_scoped3A : memref<!tpu.dma_semaphore, #tpu.memory_space<semaphore_mem>>) src(%dma_wait3A_79 : memref<128x128xf32, #tpu.memory_space<vmem_shared>>) dst(%arg8 : memref<128x128xf32, #tpu.memory_space<vmem>>)
      tpu.yield
    }) : () -> ()
    "tpu.region"() ({
      %run_scoped3A = tpu.sem_alloc : memref<!tpu.dma_semaphore, #tpu.memory_space<semaphore_mem>>
      %dma_start3A = arith.constant 0 : i32
      %dma_start3A_74 = tpu.memref_slice %arg5[%arg0, %mul3A_67, %dma_start3A] : memref<2x10240x128xf32, #tpu.memory_space<hbm>> -> memref<1x128x128xf32, #tpu.memory_space<hbm>>
      %dma_start3A_75 = tpu.memref_squeeze %dma_start3A_74 : memref<1x128x128xf32, #tpu.memory_space<hbm>> -> memref<128x128xf32, #tpu.memory_space<hbm>>
      %dma_start3A_76 = arith.constant 0 : i32
      %dma_start3A_77 = tpu.memref_slice %arg5[%arg0, %mul3A_67, %dma_start3A_76] : memref<2x10240x128xf32, #tpu.memory_space<hbm>> -> memref<1x128x128xf32, #tpu.memory_space<hbm>>
      %dma_start3A_78 = tpu.memref_squeeze %dma_start3A_77 : memref<1x128x128xf32, #tpu.memory_space<hbm>> -> memref<128x128xf32, #tpu.memory_space<hbm>>
      tpu.enqueue_dma source(%arg8 : memref<128x128xf32, #tpu.memory_space<vmem>>) target(%dma_start3A_78 : memref<128x128xf32, #tpu.memory_space<hbm>>) target_semaphore(%run_scoped3A : memref<!tpu.dma_semaphore, #tpu.memory_space<semaphore_mem>>)
      %dma_wait3A = arith.constant 0 : i32
      %dma_wait3A_79 = tpu.memref_slice %arg5[%arg0, %mul3A_67, %dma_wait3A] : memref<2x10240x128xf32, #tpu.memory_space<hbm>> -> memref<1x128x128xf32, #tpu.memory_space<hbm>>
      %dma_wait3A_80 = tpu.memref_squeeze %dma_wait3A_79 : memref<1x128x128xf32, #tpu.memory_space<hbm>> -> memref<128x128xf32, #tpu.memory_space<hbm>>
      %dma_wait3A_81 = arith.constant 0 : i32
      %dma_wait3A_82 = tpu.memref_slice %arg5[%arg0, %mul3A_67, %dma_wait3A_81] : memref<2x10240x128xf32, #tpu.memory_space<hbm>> -> memref<1x128x128xf32, #tpu.memory_space<hbm>>
      %dma_wait3A_83 = tpu.memref_squeeze %dma_wait3A_82 : memref<1x128x128xf32, #tpu.memory_space<hbm>> -> memref<128x128xf32, #tpu.memory_space<hbm>>
      tpu.wait_dma2 semaphore(%run_scoped3A : memref<!tpu.dma_semaphore, #tpu.memory_space<semaphore_mem>>) src(%arg8 : memref<128x128xf32, #tpu.memory_space<vmem>>) dst(%dma_wait3A_83 : memref<128x128xf32, #tpu.memory_space<hbm>>)
      tpu.yield
    }) : () -> ()
    %mul3A_68 = arith.constant 5 : i32
    %mul3A_69 = arith.muli %arg1, %mul3A_68 : i32
    %add3A_70 = arith.constant 4 : i32
    %add3A_71 = arith.addi %mul3A_69, %add3A_70 : i32
    %mul3A_72 = arith.constant 128 : i32
    %mul3A_73 = arith.muli %add3A_71, %mul3A_72 : i32
    "tpu.region"() ({
      %run_scoped3A = tpu.sem_alloc : memref<!tpu.dma_semaphore, #tpu.memory_space<semaphore_mem>>
      %dma_start3A = arith.constant 0 : i32
      %dma_start3A_74 = tpu.memref_slice %arg9[%mul3A_73, %dma_start3A] : memref<10240x128xf32, #tpu.memory_space<vmem_shared>> -> memref<128x128xf32, #tpu.memory_space<vmem_shared>>
      %dma_start3A_75 = arith.constant 0 : i32
      %dma_start3A_76 = tpu.memref_slice %arg9[%mul3A_73, %dma_start3A_75] : memref<10240x128xf32, #tpu.memory_space<vmem_shared>> -> memref<128x128xf32, #tpu.memory_space<vmem_shared>>
      tpu.enqueue_dma source(%dma_start3A_76 : memref<128x128xf32, #tpu.memory_space<vmem_shared>>) target(%arg8 : memref<128x128xf32, #tpu.memory_space<vmem>>) target_semaphore(%run_scoped3A : memref<!tpu.dma_semaphore, #tpu.memory_space<semaphore_mem>>)
      %dma_wait3A = arith.constant 0 : i32
      %dma_wait3A_77 = tpu.memref_slice %arg9[%mul3A_73, %dma_wait3A] : memref<10240x128xf32, #tpu.memory_space<vmem_shared>> -> memref<128x128xf32, #tpu.memory_space<vmem_shared>>
      %dma_wait3A_78 = arith.constant 0 : i32
      %dma_wait3A_79 = tpu.memref_slice %arg9[%mul3A_73, %dma_wait3A_78] : memref<10240x128xf32, #tpu.memory_space<vmem_shared>> -> memref<128x128xf32, #tpu.memory_space<vmem_shared>>
      tpu.wait_dma2 semaphore(%run_scoped3A : memref<!tpu.dma_semaphore, #tpu.memory_space<semaphore_mem>>) src(%dma_wait3A_79 : memref<128x128xf32, #tpu.memory_space<vmem_shared>>) dst(%arg8 : memref<128x128xf32, #tpu.memory_space<vmem>>)
      tpu.yield
    }) : () -> ()
    "tpu.region"() ({
      %run_scoped3A = tpu.sem_alloc : memref<!tpu.dma_semaphore, #tpu.memory_space<semaphore_mem>>
      %dma_start3A = arith.constant 0 : i32
      %dma_start3A_74 = tpu.memref_slice %arg5[%arg0, %mul3A_73, %dma_start3A] : memref<2x10240x128xf32, #tpu.memory_space<hbm>> -> memref<1x128x128xf32, #tpu.memory_space<hbm>>
      %dma_start3A_75 = tpu.memref_squeeze %dma_start3A_74 : memref<1x128x128xf32, #tpu.memory_space<hbm>> -> memref<128x128xf32, #tpu.memory_space<hbm>>
      %dma_start3A_76 = arith.constant 0 : i32
      %dma_start3A_77 = tpu.memref_slice %arg5[%arg0, %mul3A_73, %dma_start3A_76] : memref<2x10240x128xf32, #tpu.memory_space<hbm>> -> memref<1x128x128xf32, #tpu.memory_space<hbm>>
      %dma_start3A_78 = tpu.memref_squeeze %dma_start3A_77 : memref<1x128x128xf32, #tpu.memory_space<hbm>> -> memref<128x128xf32, #tpu.memory_space<hbm>>
      tpu.enqueue_dma source(%arg8 : memref<128x128xf32, #tpu.memory_space<vmem>>) target(%dma_start3A_78 : memref<128x128xf32, #tpu.memory_space<hbm>>) target_semaphore(%run_scoped3A : memref<!tpu.dma_semaphore, #tpu.memory_space<semaphore_mem>>)
      %dma_wait3A = arith.constant 0 : i32
      %dma_wait3A_79 = tpu.memref_slice %arg5[%arg0, %mul3A_73, %dma_wait3A] : memref<2x10240x128xf32, #tpu.memory_space<hbm>> -> memref<1x128x128xf32, #tpu.memory_space<hbm>>
      %dma_wait3A_80 = tpu.memref_squeeze %dma_wait3A_79 : memref<1x128x128xf32, #tpu.memory_space<hbm>> -> memref<128x128xf32, #tpu.memory_space<hbm>>
      %dma_wait3A_81 = arith.constant 0 : i32
      %dma_wait3A_82 = tpu.memref_slice %arg5[%arg0, %mul3A_73, %dma_wait3A_81] : memref<2x10240x128xf32, #tpu.memory_space<hbm>> -> memref<1x128x128xf32, #tpu.memory_space<hbm>>
      %dma_wait3A_83 = tpu.memref_squeeze %dma_wait3A_82 : memref<1x128x128xf32, #tpu.memory_space<hbm>> -> memref<128x128xf32, #tpu.memory_space<hbm>>
      tpu.wait_dma2 semaphore(%run_scoped3A : memref<!tpu.dma_semaphore, #tpu.memory_space<semaphore_mem>>) src(%arg8 : memref<128x128xf32, #tpu.memory_space<vmem>>) dst(%dma_wait3A_83 : memref<128x128xf32, #tpu.memory_space<hbm>>)
      tpu.yield
    }) : () -> ()
    return
  }
}

module attributes {stable_mosaic.version = 14 : i64} {
  func.func @comb(%arg0: i32, %arg1: memref<2x2048x128xf32, #tpu.memory_space<vmem>>, %arg2: memref<2x2048x128xf32, #tpu.memory_space<vmem>>, %arg3: memref<2048x128xf32, #tpu.memory_space<vmem>>) attributes {dimension_semantics = [#tpu.dimension_semantics<arbitrary>], iteration_bounds = array<i64: 5>, scalar_prefetch = 0 : i64, scratch_operands = 0 : i64, tpu.core_type = #tpu.core_type<tc>, window_params = [{transform_indices = @transform_0, window_bounds = array<i64: 2, 2048, 128>}, {transform_indices = @transform_1, window_bounds = array<i64: 2, 2048, 128>}, {transform_indices = @transform_2, window_bounds = array<i64: 2048, 128>}]} {
    %get3A = arith.constant 0 : index
    %get3A_0 = arith.constant 0 : index
    %get3A_1 = arith.constant 0 : index
    %get3A_2 = vector.load %arg1[%get3A, %get3A_0, %get3A_1] : memref<2x2048x128xf32, #tpu.memory_space<vmem>>, vector<1x2048x128xf32>
    %get3A_3 = vector.shape_cast %get3A_2 : vector<1x2048x128xf32> to vector<2048x128xf32>
    %get3A_4 = arith.constant 1 : index
    %get3A_5 = arith.constant 0 : index
    %get3A_6 = arith.constant 0 : index
    %get3A_7 = vector.load %arg1[%get3A_4, %get3A_5, %get3A_6] : memref<2x2048x128xf32, #tpu.memory_space<vmem>>, vector<1x2048x128xf32>
    %get3A_8 = vector.shape_cast %get3A_7 : vector<1x2048x128xf32> to vector<2048x128xf32>
    %add3A = arith.addf %get3A_3, %get3A_8 : vector<2048x128xf32>
    %get3A_9 = arith.constant 0 : index
    %get3A_10 = arith.constant 0 : index
    %get3A_11 = arith.constant 0 : index
    %get3A_12 = vector.load %arg2[%get3A_9, %get3A_10, %get3A_11] : memref<2x2048x128xf32, #tpu.memory_space<vmem>>, vector<1x2048x1xf32>
    %get3A_13 = vector.shape_cast %get3A_12 : vector<1x2048x1xf32> to vector<2048x1xf32>
    %get3A_14 = arith.constant 1 : index
    %get3A_15 = arith.constant 0 : index
    %get3A_16 = arith.constant 0 : index
    %get3A_17 = vector.load %arg2[%get3A_14, %get3A_15, %get3A_16] : memref<2x2048x128xf32, #tpu.memory_space<vmem>>, vector<1x2048x1xf32>
    %get3A_18 = vector.shape_cast %get3A_17 : vector<1x2048x1xf32> to vector<2048x1xf32>
    %add3A_19 = arith.addf %get3A_13, %get3A_18 : vector<2048x1xf32>
    %max3A = arith.constant 1.000000e+00 : f32
    %max3A_20 = vector.broadcast %max3A : f32 to vector<2048x1xf32>
    %max3A_21 = arith.maximumf %add3A_19, %max3A_20 : vector<2048x1xf32>
    %div3A = vector.broadcast %max3A_21 : vector<2048x1xf32> to vector<2048x128xf32>
    %div3A_22 = arith.divf %add3A, %div3A : vector<2048x128xf32>
    %swap3A = arith.constant 0 : index
    %swap3A_23 = arith.constant 0 : index
    %swap3A_24 = vector.load %arg3[%swap3A, %swap3A_23] : memref<2048x128xf32, #tpu.memory_space<vmem>>, vector<2048x128xf32>
    tpu.vector_store %arg3[%swap3A, %swap3A_23], %div3A_22 {strides = array<i32>} : memref<2048x128xf32, #tpu.memory_space<vmem>>, vector<2048x128xf32>,
    return
  }
  func.func @transform_0(%arg0: i32) -> (i32, i32, i32) {
    %c0_i32 = arith.constant 0 : i32
    %c0_i32_0 = arith.constant 0 : i32
    %c0_i32_1 = arith.constant 0 : i32
    return %c0_i32, %arg0, %c0_i32_0 : i32, i32, i32
  }
  func.func @transform_1(%arg0: i32) -> (i32, i32, i32) {
    %c0_i32 = arith.constant 0 : i32
    %c0_i32_0 = arith.constant 0 : i32
    %c0_i32_1 = arith.constant 0 : i32
    return %c0_i32, %arg0, %c0_i32_0 : i32, i32, i32
  }
  func.func @transform_2(%arg0: i32) -> (i32, i32) {
    %c0_i32 = arith.constant 0 : i32
    %c0_i32_0 = arith.constant 0 : i32
    return %arg0, %c0_i32 : i32, i32
  }
}

</mosaic_0001>

<sc_bundles>
// kernel: kernel.5.cloned.1.call-start
scs
__scs_entry_jumppad:
0x0: {  	(pc) =	sbr.rel $0x88, $3  }
0x1: {  	(tag) =	ssettag $0x0;
	lr =	simm.s32 $0x1  }
0x2: {  	[smem:$0x3F9F] =	sst lr;
	_ =	strace $0xD0000000  }
0x3: {  	_ = 	snop  }
0x4: {  	_ = 	snop  }
0x5: {  	_ = 	snop  }
0x6: {  	_ = 	snop  }
0x7: {  	_ = 	snop  }
__scs_overlays_trampoline_lowered:
0x8: {  	[smem:$0x3FAE] =	sst s0  }
0x9: {  	[smem:$0x3FAF] =	sst s1  }
0xa: {  	[smem:$0x3FB0] =	sst s2  }
0xb: {  	[smem:$0x3FB1] =	sst s3  }
0xc: {  	[smem:$0x3FB2] =	sst s4  }
0xd: {  	[smem:$0x3FB3] =	sst s5  }
0xe: {  	[smem:$0x3FB4] =	sst s6  }
0xf: {  	[smem:$0x3FB5] =	sst s7  }
0x10: {  	[smem:$0x3FB6] =	sst s8  }
0x11: {  	[smem:$0x3FB7] =	sst s9;
	s0 =	simm.s32 @!p0 $0x0  }
0x12: {  	s1 =	sld [smem:$0x3F9D];
	s0 =	simm.s32 @p0 $0x1  }
0x13: {  	[smem:$0x3FB8] =	sst s0;
	s0 =	simm.s32 @!p1 $0x0  }
0x14: {  	s2 =	sld [smem:$0x3F9C];
	s0 =	simm.s32 @p1 $0x1  }
0x15: {  	[smem:$0x3FB9] =	sst s0;
	s0 =	simm.s32 @!p2 $0x0  }
0x16: {  	s3 =	sld [smem:$0x3FDB];
	s0 =	simm.s32 @p2 $0x1  }
0x17: {  	s4 =	simm.s32 $0x1BF5;
	[smem:$0x3FBB] =	sst s0  }
0x18: {  	s0 =	sld [smem:$0x3F9E];
	_ =	swait.ge [sflag:s4], $0x0  }
0x19: {  	s7 =	sld [smem:$0x3F9F]  }
0x1a: {  	s8 =	sadd.s32 $0xFFFFE003, lr  }
0x1b: {  	s9 =	sadd.s32 $0xFFFFFEF7, lr;
	s5 =	simm.s32 $0xFFFFFFFF;
	p2 =	slt.u32 s8, $0xFFFFF086  }
0x1c: {  	p1 =	slt.u32 s9, $0xF7A;
	s5 =	simm.s32 @!p2 $0x0  }
0x1d: {  	s5 =	simm.s32 @p1 $0x1;
	p0 =	seq.s32 s7, s2  }
0x1e: {  	s7 =	smul.u32 @!p0 $0xF7A, s2;
	p2 =	seq.s32 @!p0 s5, $0x0  }
0x1f: {  	s9 =	smul.u32 $0xF7A, s1;
	s8 =	simm.s32 @!p0 $0x1BF5;
	p2 =	por !p2, p0  }
0x20: {  	[sflag:s8] =	ssyncset.s32 @!p0 $0xFFFFF086;
	s6 =	sadd.s32 @!p0 s3, s7;
	s7 =	simm.s32 @!p0 $0x108  }
0x21: {  	s3 =	sadd.s32 s3, s9;
	s6 =	sadd.s32 @!p0 $0x88, s6;
	s7 =	simm.s32 @p2 $0x1082  }
0x22: {  	[simem:s7], [sflag:s8] =	dma.local @!p0 [hbm:s6], $0xF7A  }
0x23: {  	s9 =	sor.u32 $0xD0000000, s2;
	s6 =	simm.s32 $0x108;
	_ =	swait.ge @!p0 [sflag:s8], $0x0  }
0x24: {  	s3 =	sadd.s32 $0x88, s3;
	s6 =	simm.s32 @!p1 $0x1082;
	[sflag:s4] =	ssyncset.s32 $0xFFFFF086  }
0x25: {  	[simem:s6], [sflag:s4] =	dma.local [hbm:s3], $0xF7A  }
0x26: {  	[smem:$0x3F9F] =	sst s1;
	(tag) =	ssettag s2;
	_ =	strace s9  }
0x27: {  	s1 =	sld [smem:$0x3FAF]  }
0x28: {  	s2 =	sld [smem:$0x3FB0]  }
0x29: {  	s4 =	sld [smem:$0x3FB2]  }
0x2a: {  	p0 =	seq.s32 s5, $0x0;
	s5 =	sld [smem:$0x3FB3]  }
0x2b: {  	s6 =	sld [smem:$0x3FB4]  }
0x2c: {  	s7 =	sld [smem:$0x3FB5]  }
0x2d: {  	s3 =	simm.s32 $0x108;
	s8 =	sld [smem:$0x3FB6]  }
0x2e: {  	s3 =	simm.s32 @!p0 $0x1082;
	s9 =	sld [smem:$0x3FB7]  }
0x2f: {  	lr =	sadd.s32 s0, s3;
	s0 =	sld [smem:$0x3FAE]  }
0x30: {  	s3 =	sld [smem:$0x3FB1]  }
0x31: {  	[smem:$0x3FBA] =	sst s10  }
0x32: {  	s10 =	sld [smem:$0x3FB8];
	_ =	sdelay $0x3  }
0x33: {  	p0 =	seq.s32 s10, $0x1;
	s10 =	sld [smem:$0x3FBA];
	_ =	sdelay $0x3  }
0x34: {  	[smem:$0x3FBA] =	sst s10  }
0x35: {  	s10 =	sld [smem:$0x3FB9];
	_ =	sdelay $0x3  }
0x36: {  	p1 =	seq.s32 s10, $0x1;
	s10 =	sld [smem:$0x3FBA];
	_ =	sdelay $0x3  }
0x37: {  	[smem:$0x3FBA] =	sst s10  }
0x38: {  	s10 =	sld [smem:$0x3FBB]  }
0x39: {  	_ = 	snop;
	(pc) =	sbr.ind lr, $3  }
0x3a: {  	_ = 	snop  }
0x3b: {  	_ = 	snop  }
0x3c: {  	p2 =	seq.s32 s10, $0x1;
	s10 =	sld [smem:$0x3FBA]  }
0x3d: {  	_ =	shalt  }
0x3e: {  	_ =	shalt  }
0x3f: {  	_ =	shalt  }
0x40: {  	_ =	shalt  }
0x41: {  	_ =	shalt  }
0x42: {  	_ =	shalt  }
0x43: {  	_ =	shalt  }
0x44: {  	_ =	shalt  }
0x45: {  	_ =	shalt  }
0x46: {  	_ =	shalt  }
0x47: {  	_ =	shalt  }
0x48: {  	_ =	shalt  }
0x49: {  	_ =	shalt  }
0x4a: {  	_ =	shalt  }
0x4b: {  	_ =	shalt  }
0x4c: {  	_ =	shalt  }
0x4d: {  	_ =	shalt  }
0x4e: {  	_ =	shalt  }
0x4f: {  	_ =	shalt  }
0x50: {  	_ =	shalt  }
0x51: {  	_ =	shalt  }
0x52: {  	_ =	shalt  }
0x53: {  	_ =	shalt  }
0x54: {  	_ =	shalt  }
0x55: {  	_ =	shalt  }
0x56: {  	_ =	shalt  }
0x57: {  	_ =	shalt  }
0x58: {  	_ =	shalt  }
0x59: {  	_ =	shalt  }
0x5a: {  	_ =	shalt  }
0x5b: {  	_ =	shalt  }
0x5c: {  	_ =	shalt  }
0x5d: {  	_ =	shalt  }
0x5e: {  	_ =	shalt  }
0x5f: {  	_ =	shalt  }
0x60: {  	_ =	shalt  }
0x61: {  	_ =	shalt  }
0x62: {  	_ =	shalt  }
0x63: {  	_ =	shalt  }
0x64: {  	_ =	shalt  }
0x65: {  	_ =	shalt  }
0x66: {  	_ =	shalt  }
0x67: {  	_ =	shalt  }
0x68: {  	_ =	shalt  }
0x69: {  	_ =	shalt  }
0x6a: {  	_ =	shalt  }
0x6b: {  	_ =	shalt  }
0x6c: {  	_ =	shalt  }
0x6d: {  	_ =	shalt  }
0x6e: {  	_ =	shalt  }
0x6f: {  	_ =	shalt  }
0x70: {  	_ =	shalt  }
0x71: {  	_ =	shalt  }
0x72: {  	_ =	shalt  }
0x73: {  	_ =	shalt  }
0x74: {  	_ =	shalt  }
0x75: {  	_ =	shalt  }
0x76: {  	_ =	shalt  }
0x77: {  	_ =	shalt  }
0x78: {  	_ =	shalt  }
0x79: {  	_ =	shalt  }
0x7a: {  	_ =	shalt  }
0x7b: {  	_ =	shalt  }
0x7c: {  	_ =	shalt  }
0x7d: {  	_ =	shalt  }
0x7e: {  	_ =	shalt  }
0x7f: {  	_ =	shalt  }
0x80: {  	_ =	shalt  }
0x81: {  	_ =	shalt  }
0x82: {  	_ =	shalt  }
0x83: {  	_ =	shalt  }
0x84: {  	_ =	shalt  }
0x85: {  	_ =	shalt  }
0x86: {  	_ =	shalt  }
0x87: {  	_ =	shalt  }
.Lfunc_end0:
.L_simem_size_0:
called_computation_lowered:
.L_overlay_start_0:
0x88: {  	s2 =	sld [smem:$0x3FD9]  }
0x89: {  	s3 =	sld [smem:$0x3FFE];
	_ =	sdelay $0x1  }
0x8a: {  	s1 =	srdreg.scid  }
0x8b: {  	s0 =	sand.u32 $0x1, s1  }
0x8c: {  	s17 =	sshll.u32 s0, $0xA;
	s2 =	sadd.s32 s3, s2  }
0x8d: {  	s2 =	sadd.s32 s2, s17  }
0x8e: {  	[smem:$0x3FC6] =	sst s2  }
0x8f: {  	_ = 	snop  }
0x90: {  	s2 =	sld [smem:$0x3FC9]  }
0x91: {  	s18 =	sld [smem:$0x3FD0];
	(tm) =	ssettm $0x1  }
0x92: {  	s4 =	sld [smem:$0x3FFB];
	_ =	sdelay $0x3  }
0x93: {  	_ =	strace s4  }
0x94: {  	s4 =	sld [smem:$0x3FFC];
	_ =	sdelay $0x3  }
0x95: {  	_ =	strace s4  }
0x96: {  	s4 =	sld [smem:$0x3FFD];
	_ =	sdelay $0x3  }
0x97: {  	_ =	strace s4  }
0x98: {  	_ =	strace $0x8FFFFFFF  }
0x99: {  	s19 =	sld [smem:$0x3FDB];
	_ =	sdelay $0x1  }
0x9a: {  	s5 =	simm.s32 $_scs_section_size  }
0x9b: {  	s6 =	simm.s32 $_size__tile_overlayer_lowered;
	s7 =	simm.s32 $_tile_overlayer_lowered  }
0x9c: {  	s22 =	simm.s32 $0x1BFF;
	s21 =	sshll.u32 s7, $0x1;
	s4 =	sadd.s32 s5, s19  }
0x9d: {  	s8 =	simm.s32 $0x0;
	s20 =	sshll.u32 s6, $0x1;
	s6 =	sadd.s32 s21, s4  }
0x9e: {  	[timem:s8], [sflag:s22] =	dma.local [hbm:s6], s20  }
0x9f: {  	_ =	swait.ge [sflag:s22], s20  }
0xa0: {  	s5 =	ssub.s32 $0x0, s20;
	[sflag:s22] =	ssyncset.done $0x0  }
0xa1: {  	[sflag:s22] =	ssyncadd.s32 s5;
	_ =	sdelay $0x1  }
0xa2: {  	s23 =	simm.s32 $0x1B8B  }
0xa3: {  	_ =	swait.ge [sflag:s23], $0x1  }
0xa4: {  	[sflag:s23] =	ssyncset.done $0x0  }
0xa5: {  	s25 =	simm.s32 $0x1B8E;
	s24 =	sld [smem:$0x3FFE];
	[sflag:s23] =	ssyncadd.s32 $0xFFFFFFFF  }
0xa6: {  	s26 =	simm.s32 $execute0_lowered;
	[smem:$0x3FD2] =	sst s25  }
0xa7: {  	s6 =	sshll.u32 s26, $0x1;
	_ =	strace $0x80000046;
	[dreg:$0x1] =	wrdreg $0xFFFFFFFF  }
0xa8: {  	s28 =	simm.s32 $_size_execute0_lowered;
	s4 =	sadd.s32 s4, s6;
	[dreg:$0x0] =	wrdreg $0x0  }
0xa9: {  	s6 =	sshll.u32 s28, $0x1;
	[dreg:$0x2] =	wrdreg s4  }
0xaa: {  	[dreg:$0x3] =	wrdreg s6  }
0xab: {  	[dreg:$0x4] =	wrdreg $0xC0  }
0xac: {  	_ =	task [dreg:s8], $0x5FFFF  }
0xad: {  	[dreg:$0x1] =	wrdreg $0xFFFFFFFF  }
0xae: {  	[dreg:$0x0] =	wrdreg $0x60  }
0xaf: {  	[dreg:$0x2] =	wrdreg s2  }
0xb0: {  	[dreg:$0x3] =	wrdreg s18  }
0xb1: {  	[dreg:$0x4] =	wrdreg s24  }
0xb2: {  	[dreg:$0x5] =	wrdreg $0x41000  }
0xb3: {  	[dreg:$0x6] =	wrdreg $0x9  }
0xb4: {  	_ =	task.clear_ibuf [dreg:s8], $0x7FFFF;
	_ =	strace $0x90000046  }
0xb5: {  	s29 =	simm.s32 $0x9;
	_ =	strace $0x80000048  }
0xb6: {  	_ =	swait.ge [sflag:s29], $0x1  }
0xb7: {  	[sflag:s29] =	ssyncadd.s32 $0xFFFFFFFF  }
0xb8: {  	_ =	strace $0x90000048  }
0xb9: {  	_ =	sfence  }
0xba: {  	s30 =	sld [smem:$0x0];
	_ =	sdelay $0x2  }
0xbb: {  	s31 =	sshll.u32 s1, $0xD;
	s1 =	sshrl.u32 s1, $0x2  }
0xbc: {  	s3 =	sand.u32 $0x4000, s31;
	s1 =	sadd.s32 s1, s30  }
0xbd: {  	s0 =	sor.u32 s3, s0;
	s1 =	sshll.u32 s1, $0x11  }
0xbe: {  	s0 =	sor.u32 s1, s0  }
0xbf: {  	s0 =	sadd.s32 $0x8F2B, s0  }
0xc0: {  	[sflag:s0] =	ssyncadd.remote.s32 $0x1  }
0xc1: {  	_ =	sfence.sel $0xFFFF  }
0xc2: {  	[dreg:$0x0] =	wrdreg $0xFFFFFFFF;
	(pc) =	sbr.abs _section_cstart, $3  }
0xc3: {  	[dreg:$0x1] =	wrdreg $0xFFFFFFFF  }
0xc4: {  	_ =	task.clear_ibuf [dreg:s8], $0x2FFFF;
	_ =	strace $0x9FFFFFFF  }
0xc5: {  	(tm) =	ssettm $0x7FFFFFFF  }
tec
execute0_lowered:
.L_overlay_start_1:
0x0: {  	(tag) =	ssettag $0x1  }
0x1: {  	s1 =	rddreg [dreg:$0x0]  }
0x2: {  	s17 =	rddreg [dreg:$0x1]  }
0x3: {  	s5 =	rddreg [dreg:$0x2];
	s3 =	srdreg.scid  }
0x4: {  	s2 =	rddreg [dreg:$0x3];
	s7 =	sand.u32 $0x1, s3  }
0x5: {  	s3 =	stileid.u32;
	s18 =	smul.u32 $0x4F00, s7  }
0x6: {  	s0 =	rddreg [dreg:$0x4];
	s4 =	simm.s32 $0x0;
	s6 =	smul.u32 $0x50000, s3  }
0x7: {  	s21 =	simm.s32 $0x1;
	s22 =	simm.s32 $0x0;
	s10 =	smul.u32 $0x14000, s3  }
0x8: {  	[smem:$0x7FF] =	sst s4;
	s14 =	sadd.s32 $0xA000, s5;
	s19 =	smul.u32 $0x140000, s7  }
0x9: {  	_ =	strace $0x80000047;
	s29 =	ssub.s32 $0x2, s7;
	s30 =	smul.u32 $0x4F0, s3  }
0xa: {  	s8 =	sshrl.u32 s29, $0x1;
	s15 =	sadd.s32 s18, s5;
	s6 =	sshrl.u32 s6, $0x2  }
0xb: {  	s11 =	sadd.s32 $0x4000, s10;
	s16 =	ssub.s32 s29, s8;
	s12 =	sadd.s32 $0x8000, s10  }
0xc: {  	s13 =	sadd.s32 $0xC000, s10;
	s20 =	sadd.s32 $0x10000, s10;
	s10 =	sadd.s32 s10, s19  }
0xd: {  	s17 =	sadd.s32 s18, s17;
	s18 =	simm.s32 $0x100;
	s5 =	sadd.s32 s6, s2  }
0xe: {  	s6 =	sadd.s32 s11, s2;
	s7 =	sadd.s32 s12, s2;
	s8 =	sadd.s32 s13, s2  }
0xf: {  	s9 =	sadd.s32 s20, s2;
	s11 =	sadd.s32 s19, s11;
	s10 =	sshrl.u32 s10, $0x3  }
0x10: {  	s12 =	sadd.s32 s19, s12;
	s13 =	sadd.s32 s19, s13;
	s19 =	sadd.s32 s19, s20  }
0x11: {  	s31 =	sadd.s32 s30, s15;
	s15 =	smax.u32 s16, $0x1;
	s17 =	sadd.s32 s30, s17  }
0x12: {  	s20 =	simm.s32 $0x80;
	s11 =	sshrl.u32 s11, $0x3;
	s10 =	sadd.s32 s14, s10  }
0x13: {  	s12 =	sshrl.u32 s12, $0x3;
	s13 =	sshrl.u32 s13, $0x3;
	s19 =	sshrl.u32 s19, $0x3  }
0x14: {  	s16 =	sadd.s32 $0x200, s31;
	s11 =	sadd.s32 s14, s11;
	s12 =	sadd.s32 s14, s12  }
0x15: {  	v0 =	vimm.f32 $0.0e+00;
	s13 =	sadd.s32 s14, s13;
	s14 =	sadd.s32 s14, s19;
	s19 =	simm.s32 $0x2  }
.LBB2_1:
0x16: {  	s23 =	simm.s32 $0x0;
	s24 =	simm.s32 $0x200  }
.LBB2_2:
0x17: {  	p0 =	sne.s32 s24, $0xFE00;
	[tilespmem:s23+$0x170] =	vst v0  }
0x18: {  	[tilespmem:s23+$0x100] =	vst v0  }
0x19: {  	[tilespmem:s23+$0x110] =	vst v0  }
.Ltmp0:
0x1a: {  	[tilespmem:s23+$0x120] =	vst v0;
	(pc) =	sbr.rel @p0 .LBB2_2-.Ltmp0, $4  }
0x1b: {  	[tilespmem:s23+$0x130] =	vst v0  }
0x1c: {  	[tilespmem:s23+$0x140] =	vst v0  }
0x1d: {  	[tilespmem:s23+$0x150] =	vst v0  }
0x1e: {  	[tilespmem:s23+$0x160] =	vst v0;
	s23 =	sshra.s32 s24, $0x2;
	s24 =	sadd.s32 $0x200, s24  }
0x1f: {  	[tilespmem:s23+$0x170] =	vst v0  }
0x20: {  	[tilespmem:s23+$0x100] =	vst v0  }
0x21: {  	[tilespmem:s23+$0x110] =	vst v0  }
0x22: {  	[tilespmem:s23+$0x120] =	vst v0  }
0x23: {  	[tilespmem:s23+$0x130] =	vst v0  }
0x24: {  	[tilespmem:s23+$0x140] =	vst v0  }
0x25: {  	[tilespmem:s23+$0x150] =	vst v0  }
0x26: {  	[tilespmem:s23+$0x160] =	vst v0  }
0x27: {  	[spmem:s5] =	stream.linear.scatter [tilespmem:s18], [sflag:$0x2], $0x4000, $0x38;
	[tilespmem:$0x18100] =	vst v63  }
0x28: {  	_ =	swait.ge [sflag:s19], $0x4000  }
0x29: {  	[sflag:s19] =	ssyncset.done $0x0  }
0x2a: {  	[sflag:s19] =	ssyncadd.s32 $0xFFFFC000  }
0x2b: {  	[spmem:s6] =	stream.linear.scatter [tilespmem:s18], [sflag:$0x2], $0x4000, $0x38;
	[tilespmem:$0x18100] =	vst v63  }
0x2c: {  	_ =	swait.ge [sflag:s19], $0x4000  }
0x2d: {  	[sflag:s19] =	ssyncset.done $0x0  }
0x2e: {  	[sflag:s19] =	ssyncadd.s32 $0xFFFFC000  }
0x2f: {  	[spmem:s7] =	stream.linear.scatter [tilespmem:s18], [sflag:$0x2], $0x4000, $0x38;
	[tilespmem:$0x18100] =	vst v63  }
0x30: {  	_ =	swait.ge [sflag:s19], $0x4000  }
0x31: {  	[sflag:s19] =	ssyncset.done $0x0  }
0x32: {  	[sflag:s19] =	ssyncadd.s32 $0xFFFFC000  }
0x33: {  	[spmem:s8] =	stream.linear.scatter [tilespmem:s18], [sflag:$0x2], $0x4000, $0x38;
	[tilespmem:$0x18100] =	vst v63  }
0x34: {  	_ =	swait.ge [sflag:s19], $0x4000  }
0x35: {  	[sflag:s19] =	ssyncset.done $0x0  }
0x36: {  	[sflag:s19] =	ssyncadd.s32 $0xFFFFC000  }
0x37: {  	[spmem:s9] =	stream.linear.scatter [tilespmem:s18], [sflag:$0x2], $0x4000, $0x38;
	[tilespmem:$0x18100] =	vst v63  }
0x38: {  	_ =	swait.ge [sflag:s19], $0x4000  }
0x39: {  	[sflag:s19] =	ssyncset.done $0x0  }
0x3a: {  	[sflag:s19] =	ssyncadd.s32 $0xFFFFC000  }
0x3b: {  	s30 =	sadd.s32 $0x0, s17;
	[bflag:$0x0] =	sbarrier.arrive $0xFFFF  }
0x3c: {  	[tilespmem:s4], [sflag:$0x2] =	stream.linear.gather [hbm4b:s30+s4], $0x80, $0x38;
	[tilespmem:$0x18100] =	vst v63  }
0x3d: {  	_ =	swait.ge [sflag:s19], $0x80  }
0x3e: {  	[sflag:s19] =	ssyncset.done $0x0  }
0x3f: {  	[sflag:s19] =	ssyncadd.s32 $0xFFFFFF80  }
0x40: {  	[tilespmem:s18], [sflag:$0x1] =	stream.indirect.gather [hbm4b:s1+s20], $0x80, s4, s20, $0xb8;
	[tilespmem:$0x18100] =	vst v63  }
0x41: {  	_ =	swait.ge [sflag:s21], $0x4000  }
0x42: {  	[sflag:s21] =	ssyncset.done $0x0  }
0x43: {  	s31 =	sadd.s32 $0x0, s16;
	[sflag:s21] =	ssyncadd.s32 $0xFFFFC000  }
0x44: {  	[tilespmem:s20], [sflag:$0x2] =	stream.linear.gather [hbm4b:s31+s4], $0x80, $0x38;
	[tilespmem:$0x18100] =	vst v63  }
0x45: {  	_ =	swait.ge [sflag:s19], $0x80  }
0x46: {  	[sflag:s19] =	ssyncset.done $0x0  }
0x47: {  	[sflag:s19] =	ssyncadd.s32 $0xFFFFFF80  }
0x48: {  	[spmem:s2] =	stream.indirect.scatter.add.f32 [tilespmem:s18], [sflag:$0x2], $0x80, s20, s20, $0xb8;
	[tilespmem:$0x18100] =	vst v63  }
0x49: {  	_ =	swait.ge [sflag:s19], $0x4000  }
0x4a: {  	s23 =	simm.s32 $0x10;
	s24 =	simm.s32 $0x20;
	[sflag:s19] =	ssyncset.done $0x0  }
.LBB2_4:
0x4b: {  	s25 =	sadd.s32 s23, s17  }
0x4c: {  	[sflag:s19] =	ssyncadd.s32 $0xFFFFC000;
	s26 =	smov.u32 s24;
	s28 =	sadd.s32 $0x10, s24  }
0x4d: {  	[tilespmem:s4], [sflag:$0x2] =	stream.linear.gather [hbm4b:s25+s4], $0x80, $0x38;
	[tilespmem:$0x18100] =	vst v63  }
0x4e: {  	p0 =	sne.s32 s24, $0x4E0;
	_ =	swait.ge [sflag:s19], $0x80  }
0x4f: {  	[sflag:s19] =	ssyncset.done $0x0  }
0x50: {  	[sflag:s19] =	ssyncadd.s32 $0xFFFFFF80  }
0x51: {  	[tilespmem:s18], [sflag:$0x1] =	stream.indirect.gather [hbm4b:s1+s20], $0x80, s4, s20, $0xb8;
	[tilespmem:$0x18100] =	vst v63  }
0x52: {  	_ =	swait.ge [sflag:s21], $0x4000  }
0x53: {  	[sflag:s21] =	ssyncset.done $0x0  }
0x54: {  	s24 =	sadd.s32 s23, s16;
	s23 =	smov.u32 s26;
	[sflag:s21] =	ssyncadd.s32 $0xFFFFC000  }
0x55: {  	[tilespmem:s20], [sflag:$0x2] =	stream.linear.gather [hbm4b:s24+s4], $0x80, $0x38;
	[tilespmem:$0x18100] =	vst v63  }
0x56: {  	_ =	swait.ge [sflag:s19], $0x80  }
.Ltmp1:
0x57: {  	[sflag:s19] =	ssyncset.done $0x0;
	(pc) =	sbr.rel @p0 .LBB2_4-.Ltmp1, $4  }
0x58: {  	[sflag:s19] =	ssyncadd.s32 $0xFFFFFF80  }
0x59: {  	[spmem:s2] =	stream.indirect.scatter.add.f32 [tilespmem:s18], [sflag:$0x2], $0x80, s20, s20, $0xb8;
	[tilespmem:$0x18100] =	vst v63  }
0x5a: {  	_ =	swait.ge [sflag:s19], $0x4000  }
0x5b: {  	s24 =	smov.u32 s28;
	[sflag:s19] =	ssyncset.done $0x0  }
0x5c: {  	s24 =	sadd.s32 s23, s17;
	[sflag:s19] =	ssyncadd.s32 $0xFFFFC000  }
0x5d: {  	[tilespmem:s4], [sflag:$0x2] =	stream.linear.gather [hbm4b:s24+s4], $0x80, $0x38;
	[tilespmem:$0x18100] =	vst v63  }
0x5e: {  	_ =	swait.ge [sflag:s19], $0x80  }
0x5f: {  	[sflag:s19] =	ssyncset.done $0x0  }
0x60: {  	[sflag:s19] =	ssyncadd.s32 $0xFFFFFF80  }
0x61: {  	[tilespmem:s18], [sflag:$0x1] =	stream.indirect.gather [hbm4b:s1+s20], $0x80, s4, s20, $0xb8;
	[tilespmem:$0x18100] =	vst v63  }
0x62: {  	_ =	swait.ge [sflag:s21], $0x4000  }
0x63: {  	[sflag:s21] =	ssyncset.done $0x0  }
0x64: {  	s31 =	sadd.s32 s23, s16;
	[sflag:s21] =	ssyncadd.s32 $0xFFFFC000  }
0x65: {  	[tilespmem:s20], [sflag:$0x2] =	stream.linear.gather [hbm4b:s31+s4], $0x80, $0x38;
	[tilespmem:$0x18100] =	vst v63  }
0x66: {  	_ =	swait.ge [sflag:s19], $0x80  }
0x67: {  	[sflag:s19] =	ssyncset.done $0x0  }
0x68: {  	[sflag:s19] =	ssyncadd.s32 $0xFFFFFF80  }
0x69: {  	[spmem:s2] =	stream.indirect.scatter.add.f32 [tilespmem:s18], [sflag:$0x2], $0x80, s20, s20, $0xb8;
	[tilespmem:$0x18100] =	vst v63  }
0x6a: {  	_ =	swait.ge [sflag:s19], $0x4000  }
0x6b: {  	[sflag:s19] =	ssyncset.done $0x0  }
0x6c: {  	[sflag:s19] =	ssyncadd.s32 $0xFFFFC000  }
0x6d: {  	[bflag:$0x0] =	sbarrier.arrive $0xFFFF  }
0x6e: {  	[tilespmem:s18], [sflag:$0x2] =	stream.linear.gather [spmem:s5], $0x4000, $0x38;
	[tilespmem:$0x18100] =	vst v63  }
0x6f: {  	_ =	swait.ge [sflag:s19], $0x4000  }
0x70: {  	[sflag:s19] =	ssyncset.done $0x0  }
0x71: {  	[sflag:s19] =	ssyncadd.s32 $0xFFFFC000  }
0x72: {  	[hbm4b:s10+s4] =	stream.linear.scatter [tilespmem:s18], [sflag:$0x2], $0x4000, $0x38;
	[tilespmem:$0x18100] =	vst v63  }
0x73: {  	_ =	swait.ge [sflag:s19], $0x4000  }
0x74: {  	[sflag:s19] =	ssyncset.done $0x0  }
0x75: {  	[sflag:s19] =	ssyncadd.s32 $0xFFFFC000  }
0x76: {  	[tilespmem:s18], [sflag:$0x2] =	stream.linear.gather [spmem:s6], $0x4000, $0x38;
	[tilespmem:$0x18100] =	vst v63  }
0x77: {  	_ =	swait.ge [sflag:s19], $0x4000  }
0x78: {  	[sflag:s19] =	ssyncset.done $0x0  }
0x79: {  	[sflag:s19] =	ssyncadd.s32 $0xFFFFC000  }
0x7a: {  	[hbm4b:s11+s4] =	stream.linear.scatter [tilespmem:s18], [sflag:$0x2], $0x4000, $0x38;
	[tilespmem:$0x18100] =	vst v63  }
0x7b: {  	_ =	swait.ge [sflag:s19], $0x4000  }
0x7c: {  	[sflag:s19] =	ssyncset.done $0x0  }
0x7d: {  	[sflag:s19] =	ssyncadd.s32 $0xFFFFC000  }
0x7e: {  	[tilespmem:s18], [sflag:$0x2] =	stream.linear.gather [spmem:s7], $0x4000, $0x38;
	[tilespmem:$0x18100] =	vst v63  }
0x7f: {  	_ =	swait.ge [sflag:s19], $0x4000  }
0x80: {  	[sflag:s19] =	ssyncset.done $0x0  }
0x81: {  	[sflag:s19] =	ssyncadd.s32 $0xFFFFC000  }
0x82: {  	[hbm4b:s12+s4] =	stream.linear.scatter [tilespmem:s18], [sflag:$0x2], $0x4000, $0x38;
	[tilespmem:$0x18100] =	vst v63  }
0x83: {  	_ =	swait.ge [sflag:s19], $0x4000  }
0x84: {  	[sflag:s19] =	ssyncset.done $0x0  }
0x85: {  	[sflag:s19] =	ssyncadd.s32 $0xFFFFC000  }
0x86: {  	[tilespmem:s18], [sflag:$0x2] =	stream.linear.gather [spmem:s8], $0x4000, $0x38;
	[tilespmem:$0x18100] =	vst v63  }
0x87: {  	_ =	swait.ge [sflag:s19], $0x4000  }
0x88: {  	[sflag:s19] =	ssyncset.done $0x0  }
0x89: {  	[sflag:s19] =	ssyncadd.s32 $0xFFFFC000  }
0x8a: {  	[hbm4b:s13+s4] =	stream.linear.scatter [tilespmem:s18], [sflag:$0x2], $0x4000, $0x38;
	[tilespmem:$0x18100] =	vst v63  }
0x8b: {  	_ =	swait.ge [sflag:s19], $0x4000  }
0x8c: {  	[sflag:s19] =	ssyncset.done $0x0  }
0x8d: {  	[sflag:s19] =	ssyncadd.s32 $0xFFFFC000  }
0x8e: {  	[tilespmem:s18], [sflag:$0x2] =	stream.linear.gather [spmem:s9], $0x4000, $0x38;
	[tilespmem:$0x18100] =	vst v63  }
0x8f: {  	s22 =	sadd.s32 $0x1, s22;
	_ =	swait.ge [sflag:s19], $0x4000  }
0x90: {  	p0 =	sne.s32 s22, s15;
	[sflag:s19] =	ssyncset.done $0x0  }
.Ltmp2:
0x91: {  	[sflag:s19] =	ssyncadd.s32 $0xFFFFC000;
	(pc) =	sbr.rel @p0 .LBB2_1-.Ltmp2, $4  }
0x92: {  	[hbm4b:s14+s4] =	stream.linear.scatter [tilespmem:s18], [sflag:$0x2], $0x4000, $0x38;
	[tilespmem:$0x18100] =	vst v63  }
0x93: {  	_ =	swait.ge [sflag:s19], $0x4000  }
0x94: {  	[sflag:s19] =	ssyncset.done $0x0  }
0x95: {  	[sflag:s19] =	ssyncadd.s32 $0xFFFFC000  }
0x96: {  	_ =	sfence.sel $0x180000  }
0x97: {  	[bflag:$0x0] =	sbarrier.arrive $0xFFFF  }
0x98: {  	p0 =	sne.s32 s3, $0x0;
	_ =	strace $0x90000047  }
0x99: {  	s0 =	sadd.s32 @!p0 $0x100000, s0;
	[bflag:$0x2] =	sbarrier.arrive $0xFFFF  }
0x9a: {  	[sflag:s0] =	ssyncadd.tile.s32 @!p0 $0x1;
	_ =	shalt  }
.Lfunc_end2:
_tile_overlayer_lowered:
.L_overlay_start_2:
0x9b: {  	(tag) =	ssettag $0x2  }
0x9c: {  	s0 =	rddreg [dreg:$0x0];
	s2 =	stileid.u32  }
0x9d: {  	s1 =	rddreg [dreg:$0x1];
	p0 =	sne.s32 s2, $0x0  }
0x9e: {  	s3 =	rddreg [dreg:$0x2];
	[bflag:$0x3] =	sbarrier.arrive $0xFFFF;
	s2 =	simm.s32 @!p0 $0x1C02  }
0x9f: {  	[timem:s3], [sflag:s2] =	dma.local @!p0 [hbm:s0], s1  }
0xa0: {  	s0 =	simm.s32 @!p0 $0x2  }
0xa1: {  	_ =	swait.ge @!p0 [sflag:s0], s1  }
0xa2: {  	s1 =	ssub.s32 @!p0 $0x0, s1;
	[sflag:s0] =	ssyncset.done @!p0 $0x0  }
0xa3: {  	[sflag:s0] =	ssyncadd.s32 @!p0 s1  }
0xa4: {  	[bflag:$0x3] =	sbarrier.arrive $0xFFFF  }
0xa5: {  	_ =	shalt  }

// kernel: kernel.8.cloned.1.call-start
scs
__scs_entry_jumppad:
0x0: {  	(pc) =	sbr.rel $0x88, $3  }
0x1: {  	(tag) =	ssettag $0x0;
	lr =	simm.s32 $0x1  }
0x2: {  	[smem:$0x3F9F] =	sst lr;
	_ =	strace $0xD0000000  }
0x3: {  	_ = 	snop  }
0x4: {  	_ = 	snop  }
0x5: {  	_ = 	snop  }
0x6: {  	_ = 	snop  }
0x7: {  	_ = 	snop  }
__scs_overlays_trampoline_lowered:
0x8: {  	[smem:$0x3FAE] =	sst s0  }
0x9: {  	[smem:$0x3FAF] =	sst s1  }
0xa: {  	[smem:$0x3FB0] =	sst s2  }
0xb: {  	[smem:$0x3FB1] =	sst s3  }
0xc: {  	[smem:$0x3FB2] =	sst s4  }
0xd: {  	[smem:$0x3FB3] =	sst s5  }
0xe: {  	[smem:$0x3FB4] =	sst s6  }
0xf: {  	[smem:$0x3FB5] =	sst s7  }
0x10: {  	[smem:$0x3FB6] =	sst s8  }
0x11: {  	[smem:$0x3FB7] =	sst s9;
	s0 =	simm.s32 @!p0 $0x0  }
0x12: {  	s1 =	sld [smem:$0x3F9D];
	s0 =	simm.s32 @p0 $0x1  }
0x13: {  	[smem:$0x3FB8] =	sst s0;
	s0 =	simm.s32 @!p1 $0x0  }
0x14: {  	s2 =	sld [smem:$0x3F9C];
	s0 =	simm.s32 @p1 $0x1  }
0x15: {  	[smem:$0x3FB9] =	sst s0;
	s0 =	simm.s32 @!p2 $0x0  }
0x16: {  	s3 =	sld [smem:$0x3FDB];
	s0 =	simm.s32 @p2 $0x1  }
0x17: {  	s4 =	simm.s32 $0x1BF5;
	[smem:$0x3FBB] =	sst s0  }
0x18: {  	s0 =	sld [smem:$0x3F9E];
	_ =	swait.ge [sflag:s4], $0x0  }
0x19: {  	s7 =	sld [smem:$0x3F9F]  }
0x1a: {  	s8 =	sadd.s32 $0xFFFFE003, lr  }
0x1b: {  	s9 =	sadd.s32 $0xFFFFFEF7, lr;
	s5 =	simm.s32 $0xFFFFFFFF;
	p2 =	slt.u32 s8, $0xFFFFF086  }
0x1c: {  	p1 =	slt.u32 s9, $0xF7A;
	s5 =	simm.s32 @!p2 $0x0  }
0x1d: {  	s5 =	simm.s32 @p1 $0x1;
	p0 =	seq.s32 s7, s2  }
0x1e: {  	s7 =	smul.u32 @!p0 $0xF7A, s2;
	p2 =	seq.s32 @!p0 s5, $0x0  }
0x1f: {  	s9 =	smul.u32 $0xF7A, s1;
	s8 =	simm.s32 @!p0 $0x1BF5;
	p2 =	por !p2, p0  }
0x20: {  	[sflag:s8] =	ssyncset.s32 @!p0 $0xFFFFF086;
	s6 =	sadd.s32 @!p0 s3, s7;
	s7 =	simm.s32 @!p0 $0x108  }
0x21: {  	s3 =	sadd.s32 s3, s9;
	s6 =	sadd.s32 @!p0 $0x88, s6;
	s7 =	simm.s32 @p2 $0x1082  }
0x22: {  	[simem:s7], [sflag:s8] =	dma.local @!p0 [hbm:s6], $0xF7A  }
0x23: {  	s9 =	sor.u32 $0xD0000000, s2;
	s6 =	simm.s32 $0x108;
	_ =	swait.ge @!p0 [sflag:s8], $0x0  }
0x24: {  	s3 =	sadd.s32 $0x88, s3;
	s6 =	simm.s32 @!p1 $0x1082;
	[sflag:s4] =	ssyncset.s32 $0xFFFFF086  }
0x25: {  	[simem:s6], [sflag:s4] =	dma.local [hbm:s3], $0xF7A  }
0x26: {  	[smem:$0x3F9F] =	sst s1;
	(tag) =	ssettag s2;
	_ =	strace s9  }
0x27: {  	s1 =	sld [smem:$0x3FAF]  }
0x28: {  	s2 =	sld [smem:$0x3FB0]  }
0x29: {  	s4 =	sld [smem:$0x3FB2]  }
0x2a: {  	p0 =	seq.s32 s5, $0x0;
	s5 =	sld [smem:$0x3FB3]  }
0x2b: {  	s6 =	sld [smem:$0x3FB4]  }
0x2c: {  	s7 =	sld [smem:$0x3FB5]  }
0x2d: {  	s3 =	simm.s32 $0x108;
	s8 =	sld [smem:$0x3FB6]  }
0x2e: {  	s3 =	simm.s32 @!p0 $0x1082;
	s9 =	sld [smem:$0x3FB7]  }
0x2f: {  	lr =	sadd.s32 s0, s3;
	s0 =	sld [smem:$0x3FAE]  }
0x30: {  	s3 =	sld [smem:$0x3FB1]  }
0x31: {  	[smem:$0x3FBA] =	sst s10  }
0x32: {  	s10 =	sld [smem:$0x3FB8];
	_ =	sdelay $0x3  }
0x33: {  	p0 =	seq.s32 s10, $0x1;
	s10 =	sld [smem:$0x3FBA];
	_ =	sdelay $0x3  }
0x34: {  	[smem:$0x3FBA] =	sst s10  }
0x35: {  	s10 =	sld [smem:$0x3FB9];
	_ =	sdelay $0x3  }
0x36: {  	p1 =	seq.s32 s10, $0x1;
	s10 =	sld [smem:$0x3FBA];
	_ =	sdelay $0x3  }
0x37: {  	[smem:$0x3FBA] =	sst s10  }
0x38: {  	s10 =	sld [smem:$0x3FBB]  }
0x39: {  	_ = 	snop;
	(pc) =	sbr.ind lr, $3  }
0x3a: {  	_ = 	snop  }
0x3b: {  	_ = 	snop  }
0x3c: {  	p2 =	seq.s32 s10, $0x1;
	s10 =	sld [smem:$0x3FBA]  }
0x3d: {  	_ =	shalt  }
0x3e: {  	_ =	shalt  }
0x3f: {  	_ =	shalt  }
0x40: {  	_ =	shalt  }
0x41: {  	_ =	shalt  }
0x42: {  	_ =	shalt  }
0x43: {  	_ =	shalt  }
0x44: {  	_ =	shalt  }
0x45: {  	_ =	shalt  }
0x46: {  	_ =	shalt  }
0x47: {  	_ =	shalt  }
0x48: {  	_ =	shalt  }
0x49: {  	_ =	shalt  }
0x4a: {  	_ =	shalt  }
0x4b: {  	_ =	shalt  }
0x4c: {  	_ =	shalt  }
0x4d: {  	_ =	shalt  }
0x4e: {  	_ =	shalt  }
0x4f: {  	_ =	shalt  }
0x50: {  	_ =	shalt  }
0x51: {  	_ =	shalt  }
0x52: {  	_ =	shalt  }
0x53: {  	_ =	shalt  }
0x54: {  	_ =	shalt  }
0x55: {  	_ =	shalt  }
0x56: {  	_ =	shalt  }
0x57: {  	_ =	shalt  }
0x58: {  	_ =	shalt  }
0x59: {  	_ =	shalt  }
0x5a: {  	_ =	shalt  }
0x5b: {  	_ =	shalt  }
0x5c: {  	_ =	shalt  }
0x5d: {  	_ =	shalt  }
0x5e: {  	_ =	shalt  }
0x5f: {  	_ =	shalt  }
0x60: {  	_ =	shalt  }
0x61: {  	_ =	shalt  }
0x62: {  	_ =	shalt  }
0x63: {  	_ =	shalt  }
0x64: {  	_ =	shalt  }
0x65: {  	_ =	shalt  }
0x66: {  	_ =	shalt  }
0x67: {  	_ =	shalt  }
0x68: {  	_ =	shalt  }
0x69: {  	_ =	shalt  }
0x6a: {  	_ =	shalt  }
0x6b: {  	_ =	shalt  }
0x6c: {  	_ =	shalt  }
0x6d: {  	_ =	shalt  }
0x6e: {  	_ =	shalt  }
0x6f: {  	_ =	shalt  }
0x70: {  	_ =	shalt  }
0x71: {  	_ =	shalt  }
0x72: {  	_ =	shalt  }
0x73: {  	_ =	shalt  }
0x74: {  	_ =	shalt  }
0x75: {  	_ =	shalt  }
0x76: {  	_ =	shalt  }
0x77: {  	_ =	shalt  }
0x78: {  	_ =	shalt  }
0x79: {  	_ =	shalt  }
0x7a: {  	_ =	shalt  }
0x7b: {  	_ =	shalt  }
0x7c: {  	_ =	shalt  }
0x7d: {  	_ =	shalt  }
0x7e: {  	_ =	shalt  }
0x7f: {  	_ =	shalt  }
0x80: {  	_ =	shalt  }
0x81: {  	_ =	shalt  }
0x82: {  	_ =	shalt  }
0x83: {  	_ =	shalt  }
0x84: {  	_ =	shalt  }
0x85: {  	_ =	shalt  }
0x86: {  	_ =	shalt  }
0x87: {  	_ =	shalt  }
.Lfunc_end0:
.L_simem_size_0:
called_computation.1_lowered:
.L_overlay_start_0:
0x88: {  	s2 =	sld [smem:$0x3FD9]  }
0x89: {  	s3 =	sld [smem:$0x3FFE];
	_ =	sdelay $0x1  }
0x8a: {  	s1 =	srdreg.scid  }
0x8b: {  	s0 =	sand.u32 $0x1, s1  }
0x8c: {  	s17 =	sshll.u32 s0, $0xA;
	s2 =	sadd.s32 s3, s2  }
0x8d: {  	s2 =	sadd.s32 s2, s17  }
0x8e: {  	[smem:$0x3FC6] =	sst s2  }
0x8f: {  	_ = 	snop  }
0x90: {  	(tm) =	ssettm $0x1  }
0x91: {  	s18 =	sld [smem:$0x3FFB];
	_ =	sdelay $0x3  }
0x92: {  	_ =	strace s18  }
0x93: {  	s2 =	sld [smem:$0x3FFC];
	_ =	sdelay $0x3  }
0x94: {  	_ =	strace s2  }
0x95: {  	s2 =	sld [smem:$0x3FFD];
	_ =	sdelay $0x3  }
0x96: {  	_ =	strace s2  }
0x97: {  	_ =	strace $0x8FFFFFFF  }
0x98: {  	s19 =	sld [smem:$0x3FDB];
	_ =	sdelay $0x1  }
0x99: {  	s20 =	simm.s32 $_scs_section_size  }
0x9a: {  	s4 =	simm.s32 $_size__tile_overlayer_lowered;
	s5 =	simm.s32 $_tile_overlayer_lowered  }
0x9b: {  	s6 =	simm.s32 $0x1BFF;
	s21 =	sshll.u32 s5, $0x1;
	s3 =	sadd.s32 s20, s19  }
0x9c: {  	s22 =	simm.s32 $0x0;
	s4 =	sshll.u32 s4, $0x1;
	s5 =	sadd.s32 s21, s3  }
0x9d: {  	[timem:s22], [sflag:s6] =	dma.local [hbm:s5], s4  }
0x9e: {  	_ =	swait.ge [sflag:s6], s4  }
0x9f: {  	s4 =	ssub.s32 $0x0, s4;
	[sflag:s6] =	ssyncset.done $0x0  }
0xa0: {  	[sflag:s6] =	ssyncadd.s32 s4;
	_ =	sdelay $0x1  }
0xa1: {  	s23 =	simm.s32 $0x1B8B  }
0xa2: {  	_ =	swait.ge [sflag:s23], $0x1  }
0xa3: {  	[sflag:s23] =	ssyncset.done $0x0  }
0xa4: {  	[sflag:s23] =	ssyncadd.s32 $0xFFFFFFFF  }
0xa5: {  	s4 =	sld [smem:$0x0]  }
0xa6: {  	s5 =	sand.u32 $0xFFFFFFFE, s1  }
0xa7: {  	p0 =	sne.s32 s1, s5  }
0xa8: {  	s5 =	sshll.u32 @p0 s5, $0xE  }
0xa9: {  	s5 =	sadd.s32 @p0 $0x11B8D, s5;
	s6 =	sshll.u32 @p0 s4, $0x11  }
0xaa: {  	s5 =	sor.u32 @p0 s6, s5  }
0xab: {  	[sflag:s5] =	ssyncadd.remote.s32 @p0 $0x1;
	_ =	sdelay $0x1  }
0xac: {  	s5 =	simm.s32 @p0 $0x1B8D  }
0xad: {  	_ =	swait.eq @p0 [sflag:s5], $0x1  }
0xae: {  	[sflag:s5] =	ssyncadd.s32 @p0 $0xFFFFFFFF  }
0xaf: {  	s6 =	sshll.u32 @!p0 s1, $0xE  }
0xb0: {  	s6 =	sor.u32 @!p0 $0x4000, s6;
	s5 =	simm.s32 @!p0 $0x1B8D  }
0xb1: {  	s4 =	sshll.u32 @!p0 s4, $0x11;
	s6 =	sadd.s32 @!p0 $0x11B8D, s6;
	_ =	swait.eq @!p0 [sflag:s5], $0x1  }
0xb2: {  	s4 =	sor.u32 @!p0 s4, s6;
	[sflag:s5] =	ssyncadd.s32 @!p0 $0xFFFFFFFF  }
0xb3: {  	s25 =	simm.s32 $0x1B8E;
	s24 =	sld [smem:$0x3FFE];
	[sflag:s4] =	ssyncadd.remote.s32 @!p0 $0x1  }
0xb4: {  	s26 =	simm.s32 $execute0_lowered;
	[smem:$0x3FD2] =	sst s25  }
0xb5: {  	s5 =	sshll.u32 s26, $0x1;
	_ =	strace $0x80000049;
	[dreg:$0x1] =	wrdreg $0xFFFFFFFF  }
0xb6: {  	s28 =	simm.s32 $_size_execute0_lowered;
	s3 =	sadd.s32 s3, s5;
	[dreg:$0x0] =	wrdreg $0x0  }
0xb7: {  	s5 =	sshll.u32 s28, $0x1;
	[dreg:$0x2] =	wrdreg s3  }
0xb8: {  	[dreg:$0x3] =	wrdreg s5  }
0xb9: {  	[dreg:$0x4] =	wrdreg $0xC0  }
0xba: {  	_ =	task [dreg:s22], $0x5FFFF  }
0xbb: {  	[dreg:$0x1] =	wrdreg $0xFFFFFFFF  }
0xbc: {  	[dreg:$0x0] =	wrdreg $0x60  }
0xbd: {  	[dreg:$0x2] =	wrdreg s24  }
0xbe: {  	[dreg:$0x3] =	wrdreg $0x80800  }
0xbf: {  	[dreg:$0x4] =	wrdreg $0xA  }
0xc0: {  	_ =	task.clear_ibuf [dreg:s22], $0x5FFFF;
	_ =	strace $0x90000049  }
0xc1: {  	s29 =	simm.s32 $0xA;
	_ =	strace $0x8000004B  }
0xc2: {  	_ =	swait.ge [sflag:s29], $0x1  }
0xc3: {  	[sflag:s29] =	ssyncadd.s32 $0xFFFFFFFF  }
0xc4: {  	_ =	strace $0x9000004B  }
0xc5: {  	_ =	sfence  }
0xc6: {  	s30 =	sld [smem:$0x0];
	_ =	sdelay $0x2  }
0xc7: {  	s31 =	sshll.u32 s1, $0xD;
	s1 =	sshrl.u32 s1, $0x2  }
0xc8: {  	s4 =	sand.u32 $0x4000, s31;
	s1 =	sadd.s32 s1, s30  }
0xc9: {  	s0 =	sor.u32 s4, s0;
	s1 =	sshll.u32 s1, $0x11  }
0xca: {  	s0 =	sor.u32 s1, s0  }
0xcb: {  	s0 =	sadd.s32 $0x8F2B, s0  }
0xcc: {  	[sflag:s0] =	ssyncadd.remote.s32 $0x1  }
0xcd: {  	_ =	sfence.sel $0xFFFF  }
0xce: {  	[dreg:$0x0] =	wrdreg $0xFFFFFFFF;
	(pc) =	sbr.abs _section_cstart, $3  }
0xcf: {  	[dreg:$0x1] =	wrdreg $0xFFFFFFFF  }
0xd0: {  	_ =	task.clear_ibuf [dreg:s22], $0x2FFFF;
	_ =	strace $0x9FFFFFFF  }
0xd1: {  	(tm) =	ssettm $0x7FFFFFFF  }
tec
execute0_lowered:
.L_overlay_start_1:
0x0: {  	(tag) =	ssettag $0x1  }
0x1: {  	s4 =	rddreg [dreg:$0x0];
	s2 =	srdreg.scid  }
0x2: {  	s1 =	rddreg [dreg:$0x1];
	s6 =	sand.u32 $0x1, s2  }
0x3: {  	s2 =	stileid.u32;
	s5 =	smul.u32 $0x4F00, s6  }
0x4: {  	s0 =	rddreg [dreg:$0x2];
	s3 =	simm.s32 $0x0;
	s7 =	smul.u32 $0x50000, s2  }
0x5: {  	s18 =	simm.s32 $0x80;
	s19 =	simm.s32 $0x0;
	s9 =	smul.u32 $0x14000, s2  }
0x6: {  	[smem:$0x7FF] =	sst s3;
	s13 =	sadd.s32 $0x5A000, s4;
	s16 =	smul.u32 $0x140000, s6  }
0x7: {  	_ =	strace $0x8000004A;
	s28 =	ssub.s32 $0x2, s6;
	s30 =	smul.u32 $0x4F0, s2  }
0x8: {  	s29 =	sshrl.u32 s28, $0x1;
	s14 =	sadd.s32 s5, s4;
	s7 =	sshrl.u32 s7, $0x2  }
0x9: {  	s10 =	sadd.s32 $0x4000, s9;
	s15 =	ssub.s32 s28, s29;
	s11 =	sadd.s32 $0x8000, s9  }
0xa: {  	s12 =	sadd.s32 $0xC000, s9;
	s17 =	sadd.s32 $0x10000, s9;
	s9 =	sadd.s32 s9, s16  }
0xb: {  	s4 =	sadd.s32 s7, s1;
	s5 =	sadd.s32 s10, s1;
	s6 =	sadd.s32 s11, s1  }
0xc: {  	s7 =	sadd.s32 s12, s1;
	s8 =	sadd.s32 s17, s1;
	s10 =	sadd.s32 s16, s10  }
0xd: {  	s9 =	sshrl.u32 s9, $0x3;
	s11 =	sadd.s32 s16, s11;
	s12 =	sadd.s32 s16, s12  }
0xe: {  	s16 =	sadd.s32 s16, s17;
	s31 =	sadd.s32 s30, s14;
	s14 =	smax.u32 s15, $0x1  }
0xf: {  	s17 =	simm.s32 $0x1;
	s10 =	sshrl.u32 s10, $0x3;
	s9 =	sadd.s32 s13, s9  }
0x10: {  	s11 =	sshrl.u32 s11, $0x3;
	s12 =	sshrl.u32 s12, $0x3;
	s16 =	sshrl.u32 s16, $0x3  }
0x11: {  	s15 =	sadd.s32 $0x200, s31;
	s10 =	sadd.s32 s13, s10;
	s11 =	sadd.s32 s13, s11  }
0x12: {  	v0 =	vimm.f32 $1.000000000e+00;
	v1 =	vimm.f32 $0.0e+00;
	s12 =	sadd.s32 s13, s12;
	s13 =	sadd.s32 s13, s16;
	s16 =	simm.s32 $0x4080  }
.LBB2_1:
0x13: {  	s20 =	simm.s32 $0x0;
	s21 =	simm.s32 $0x200  }
.LBB2_2:
0x14: {  	p0 =	sne.s32 s21, $0xFE00;
	[tilespmem:s20+$0x40F0] =	vst v1  }
0x15: {  	[tilespmem:s20+$0x80] =	vst v0  }
0x16: {  	[tilespmem:s20+$0x4080] =	vst v1  }
0x17: {  	[tilespmem:s20+$0x90] =	vst v0  }
0x18: {  	[tilespmem:s20+$0x4090] =	vst v1  }
0x19: {  	[tilespmem:s20+$0xA0] =	vst v0  }
0x1a: {  	[tilespmem:s20+$0x40A0] =	vst v1  }
0x1b: {  	[tilespmem:s20+$0xB0] =	vst v0  }
0x1c: {  	[tilespmem:s20+$0x40B0] =	vst v1  }
0x1d: {  	[tilespmem:s20+$0xC0] =	vst v0  }
0x1e: {  	[tilespmem:s20+$0x40C0] =	vst v1  }
.Ltmp0:
0x1f: {  	[tilespmem:s20+$0xD0] =	vst v0;
	(pc) =	sbr.rel @p0 .LBB2_2-.Ltmp0, $4  }
0x20: {  	[tilespmem:s20+$0x40D0] =	vst v1  }
0x21: {  	[tilespmem:s20+$0xE0] =	vst v0  }
0x22: {  	[tilespmem:s20+$0x40E0] =	vst v1  }
0x23: {  	[tilespmem:s20+$0xF0] =	vst v0;
	s20 =	sshra.s32 s21, $0x2;
	s21 =	sadd.s32 $0x200, s21  }
0x24: {  	[tilespmem:s20+$0x40F0] =	vst v1  }
0x25: {  	[tilespmem:s20+$0x80] =	vst v0  }
0x26: {  	[tilespmem:s20+$0x4080] =	vst v1  }
0x27: {  	[tilespmem:s20+$0x90] =	vst v0  }
0x28: {  	[tilespmem:s20+$0x4090] =	vst v1  }
0x29: {  	[tilespmem:s20+$0xA0] =	vst v0  }
0x2a: {  	[tilespmem:s20+$0x40A0] =	vst v1  }
0x2b: {  	[tilespmem:s20+$0xB0] =	vst v0  }
0x2c: {  	[tilespmem:s20+$0x40B0] =	vst v1  }
0x2d: {  	[tilespmem:s20+$0xC0] =	vst v0  }
0x2e: {  	[tilespmem:s20+$0x40C0] =	vst v1  }
0x2f: {  	[tilespmem:s20+$0xD0] =	vst v0  }
0x30: {  	[tilespmem:s20+$0x40D0] =	vst v1  }
0x31: {  	[tilespmem:s20+$0xE0] =	vst v0  }
0x32: {  	[tilespmem:s20+$0x40E0] =	vst v1  }
0x33: {  	[tilespmem:s20+$0xF0] =	vst v0  }
0x34: {  	[spmem:s4] =	stream.linear.scatter [tilespmem:s16], [sflag:$0x1], $0x4000, $0x38;
	[tilespmem:$0x1C080] =	vst v63  }
0x35: {  	_ =	swait.ge [sflag:s17], $0x4000  }
0x36: {  	[sflag:s17] =	ssyncset.done $0x0  }
0x37: {  	[sflag:s17] =	ssyncadd.s32 $0xFFFFC000  }
0x38: {  	[spmem:s5] =	stream.linear.scatter [tilespmem:s16], [sflag:$0x1], $0x4000, $0x38;
	[tilespmem:$0x1C080] =	vst v63  }
0x39: {  	_ =	swait.ge [sflag:s17], $0x4000  }
0x3a: {  	[sflag:s17] =	ssyncset.done $0x0  }
0x3b: {  	[sflag:s17] =	ssyncadd.s32 $0xFFFFC000  }
0x3c: {  	[spmem:s6] =	stream.linear.scatter [tilespmem:s16], [sflag:$0x1], $0x4000, $0x38;
	[tilespmem:$0x1C080] =	vst v63  }
0x3d: {  	_ =	swait.ge [sflag:s17], $0x4000  }
0x3e: {  	[sflag:s17] =	ssyncset.done $0x0  }
0x3f: {  	[sflag:s17] =	ssyncadd.s32 $0xFFFFC000  }
0x40: {  	[spmem:s7] =	stream.linear.scatter [tilespmem:s16], [sflag:$0x1], $0x4000, $0x38;
	[tilespmem:$0x1C080] =	vst v63  }
0x41: {  	_ =	swait.ge [sflag:s17], $0x4000  }
0x42: {  	[sflag:s17] =	ssyncset.done $0x0  }
0x43: {  	[sflag:s17] =	ssyncadd.s32 $0xFFFFC000  }
0x44: {  	[spmem:s8] =	stream.linear.scatter [tilespmem:s16], [sflag:$0x1], $0x4000, $0x38;
	[tilespmem:$0x1C080] =	vst v63  }
0x45: {  	_ =	swait.ge [sflag:s17], $0x4000  }
0x46: {  	[sflag:s17] =	ssyncset.done $0x0  }
0x47: {  	[sflag:s17] =	ssyncadd.s32 $0xFFFFC000  }
0x48: {  	s31 =	sadd.s32 $0x0, s15;
	[bflag:$0x0] =	sbarrier.arrive $0xFFFF  }
0x49: {  	[tilespmem:s3], [sflag:$0x1] =	stream.linear.gather [hbm4b:s31+s3], $0x80, $0x38;
	[tilespmem:$0x1C080] =	vst v63  }
0x4a: {  	_ =	swait.ge [sflag:s17], $0x80  }
0x4b: {  	[sflag:s17] =	ssyncset.done $0x0  }
0x4c: {  	[sflag:s17] =	ssyncadd.s32 $0xFFFFFF80  }
0x4d: {  	[spmem:s1] =	stream.indirect.scatter.add.f32 [tilespmem:s18], [sflag:$0x1], $0x80, s3, s18, $0xb8;
	[tilespmem:$0x1C080] =	vst v63  }
0x4e: {  	_ =	swait.ge [sflag:s17], $0x4000  }
0x4f: {  	s20 =	simm.s32 $0x10;
	s21 =	simm.s32 $0x20;
	[sflag:s17] =	ssyncset.done $0x0  }
.LBB2_4:
0x50: {  	s22 =	sadd.s32 s20, s15  }
0x51: {  	[sflag:s17] =	ssyncadd.s32 $0xFFFFC000;
	s20 =	smov.u32 s21;
	s23 =	sadd.s32 $0x10, s21  }
0x52: {  	[tilespmem:s3], [sflag:$0x1] =	stream.linear.gather [hbm4b:s22+s3], $0x80, $0x38;
	[tilespmem:$0x1C080] =	vst v63  }
0x53: {  	p0 =	sne.s32 s21, $0x4E0;
	_ =	swait.ge [sflag:s17], $0x80  }
.Ltmp1:
0x54: {  	[sflag:s17] =	ssyncset.done $0x0;
	(pc) =	sbr.rel @p0 .LBB2_4-.Ltmp1, $4  }
0x55: {  	[sflag:s17] =	ssyncadd.s32 $0xFFFFFF80  }
0x56: {  	[spmem:s1] =	stream.indirect.scatter.add.f32 [tilespmem:s18], [sflag:$0x1], $0x80, s3, s18, $0xb8;
	[tilespmem:$0x1C080] =	vst v63  }
0x57: {  	_ =	swait.ge [sflag:s17], $0x4000  }
0x58: {  	s21 =	smov.u32 s23;
	[sflag:s17] =	ssyncset.done $0x0  }
0x59: {  	s20 =	sadd.s32 s20, s15;
	[sflag:s17] =	ssyncadd.s32 $0xFFFFC000  }
0x5a: {  	[tilespmem:s3], [sflag:$0x1] =	stream.linear.gather [hbm4b:s20+s3], $0x80, $0x38;
	[tilespmem:$0x1C080] =	vst v63  }
0x5b: {  	_ =	swait.ge [sflag:s17], $0x80  }
0x5c: {  	[sflag:s17] =	ssyncset.done $0x0  }
0x5d: {  	[sflag:s17] =	ssyncadd.s32 $0xFFFFFF80  }
0x5e: {  	[spmem:s1] =	stream.indirect.scatter.add.f32 [tilespmem:s18], [sflag:$0x1], $0x80, s3, s18, $0xb8;
	[tilespmem:$0x1C080] =	vst v63  }
0x5f: {  	_ =	swait.ge [sflag:s17], $0x4000  }
0x60: {  	[sflag:s17] =	ssyncset.done $0x0  }
0x61: {  	[sflag:s17] =	ssyncadd.s32 $0xFFFFC000  }
0x62: {  	[bflag:$0x0] =	sbarrier.arrive $0xFFFF  }
0x63: {  	[tilespmem:s16], [sflag:$0x1] =	stream.linear.gather [spmem:s4], $0x4000, $0x38;
	[tilespmem:$0x1C080] =	vst v63  }
0x64: {  	_ =	swait.ge [sflag:s17], $0x4000  }
0x65: {  	[sflag:s17] =	ssyncset.done $0x0  }
0x66: {  	[sflag:s17] =	ssyncadd.s32 $0xFFFFC000  }
0x67: {  	[hbm4b:s9+s3] =	stream.linear.scatter [tilespmem:s16], [sflag:$0x1], $0x4000, $0x38;
	[tilespmem:$0x1C080] =	vst v63  }
0x68: {  	_ =	swait.ge [sflag:s17], $0x4000  }
0x69: {  	[sflag:s17] =	ssyncset.done $0x0  }
0x6a: {  	[sflag:s17] =	ssyncadd.s32 $0xFFFFC000  }
0x6b: {  	[tilespmem:s16], [sflag:$0x1] =	stream.linear.gather [spmem:s5], $0x4000, $0x38;
	[tilespmem:$0x1C080] =	vst v63  }
0x6c: {  	_ =	swait.ge [sflag:s17], $0x4000  }
0x6d: {  	[sflag:s17] =	ssyncset.done $0x0  }
0x6e: {  	[sflag:s17] =	ssyncadd.s32 $0xFFFFC000  }
0x6f: {  	[hbm4b:s10+s3] =	stream.linear.scatter [tilespmem:s16], [sflag:$0x1], $0x4000, $0x38;
	[tilespmem:$0x1C080] =	vst v63  }
0x70: {  	_ =	swait.ge [sflag:s17], $0x4000  }
0x71: {  	[sflag:s17] =	ssyncset.done $0x0  }
0x72: {  	[sflag:s17] =	ssyncadd.s32 $0xFFFFC000  }
0x73: {  	[tilespmem:s16], [sflag:$0x1] =	stream.linear.gather [spmem:s6], $0x4000, $0x38;
	[tilespmem:$0x1C080] =	vst v63  }
0x74: {  	_ =	swait.ge [sflag:s17], $0x4000  }
0x75: {  	[sflag:s17] =	ssyncset.done $0x0  }
0x76: {  	[sflag:s17] =	ssyncadd.s32 $0xFFFFC000  }
0x77: {  	[hbm4b:s11+s3] =	stream.linear.scatter [tilespmem:s16], [sflag:$0x1], $0x4000, $0x38;
	[tilespmem:$0x1C080] =	vst v63  }
0x78: {  	_ =	swait.ge [sflag:s17], $0x4000  }
0x79: {  	[sflag:s17] =	ssyncset.done $0x0  }
0x7a: {  	[sflag:s17] =	ssyncadd.s32 $0xFFFFC000  }
0x7b: {  	[tilespmem:s16], [sflag:$0x1] =	stream.linear.gather [spmem:s7], $0x4000, $0x38;
	[tilespmem:$0x1C080] =	vst v63  }
0x7c: {  	_ =	swait.ge [sflag:s17], $0x4000  }
0x7d: {  	[sflag:s17] =	ssyncset.done $0x0  }
0x7e: {  	[sflag:s17] =	ssyncadd.s32 $0xFFFFC000  }
0x7f: {  	[hbm4b:s12+s3] =	stream.linear.scatter [tilespmem:s16], [sflag:$0x1], $0x4000, $0x38;
	[tilespmem:$0x1C080] =	vst v63  }
0x80: {  	_ =	swait.ge [sflag:s17], $0x4000  }
0x81: {  	[sflag:s17] =	ssyncset.done $0x0  }
0x82: {  	[sflag:s17] =	ssyncadd.s32 $0xFFFFC000  }
0x83: {  	[tilespmem:s16], [sflag:$0x1] =	stream.linear.gather [spmem:s8], $0x4000, $0x38;
	[tilespmem:$0x1C080] =	vst v63  }
0x84: {  	s19 =	sadd.s32 $0x1, s19;
	_ =	swait.ge [sflag:s17], $0x4000  }
0x85: {  	p0 =	sne.s32 s19, s14;
	[sflag:s17] =	ssyncset.done $0x0  }
.Ltmp2:
0x86: {  	[sflag:s17] =	ssyncadd.s32 $0xFFFFC000;
	(pc) =	sbr.rel @p0 .LBB2_1-.Ltmp2, $4  }
0x87: {  	[hbm4b:s13+s3] =	stream.linear.scatter [tilespmem:s16], [sflag:$0x1], $0x4000, $0x38;
	[tilespmem:$0x1C080] =	vst v63  }
0x88: {  	_ =	swait.ge [sflag:s17], $0x4000  }
0x89: {  	[sflag:s17] =	ssyncset.done $0x0  }
0x8a: {  	[sflag:s17] =	ssyncadd.s32 $0xFFFFC000  }
0x8b: {  	_ =	sfence.sel $0x180000  }
0x8c: {  	[bflag:$0x0] =	sbarrier.arrive $0xFFFF  }
0x8d: {  	p0 =	sne.s32 s2, $0x0;
	_ =	strace $0x9000004A  }
0x8e: {  	s0 =	sadd.s32 @!p0 $0x100000, s0;
	[bflag:$0x2] =	sbarrier.arrive $0xFFFF  }
0x8f: {  	[sflag:s0] =	ssyncadd.tile.s32 @!p0 $0x1;
	_ =	shalt  }
.Lfunc_end2:
_tile_overlayer_lowered:
.L_overlay_start_2:
0x90: {  	(tag) =	ssettag $0x2  }
0x91: {  	s0 =	rddreg [dreg:$0x0];
	s2 =	stileid.u32  }
0x92: {  	s1 =	rddreg [dreg:$0x1];
	p0 =	sne.s32 s2, $0x0  }
0x93: {  	s3 =	rddreg [dreg:$0x2];
	[bflag:$0x3] =	sbarrier.arrive $0xFFFF;
	s2 =	simm.s32 @!p0 $0x1C01  }
0x94: {  	[timem:s3], [sflag:s2] =	dma.local @!p0 [hbm:s0], s1  }
0x95: {  	s0 =	simm.s32 @!p0 $0x1  }
0x96: {  	_ =	swait.ge @!p0 [sflag:s0], s1  }
0x97: {  	s1 =	ssub.s32 @!p0 $0x0, s1;
	[sflag:s0] =	ssyncset.done @!p0 $0x0  }
0x98: {  	[sflag:s0] =	ssyncadd.s32 @!p0 s1  }
0x99: {  	[bflag:$0x3] =	sbarrier.arrive $0xFFFF  }
0x9a: {  	_ =	shalt  }

</sc_bundles>
